<compile_context>
chip_gen: v7x
topology: tpu7x:2x2x1
jax: 0.10.2.dev20260603
libtpu: 0.0.44.dev20260713+nightly
codegen_flags: <defaults>
</compile_context>

<pallas_src>
import functools
import math

import jax
import jax.numpy as jnp
from jax import lax
from jax.experimental import pallas as pl
from jax.experimental.pallas import tpu as pltpu
from jax.experimental.pallas import tpu_sc as plsc

_B, _S, _D, _NQ = 16384, 200, 32, 16
_NC, _NS = 2, 16
_NW = _NC * _NS
_RPW = _B // _NW
_R = 8
_CHUNK = _R * _S
_NCH = _RPW // _R
_SENT = 0x7FFFFFFF


def _sc_sums(idx_flat, table):
    mesh = plsc.VectorSubcoreMesh(
        core_axis_name="c", subcore_axis_name="s",
        num_cores=_NC, num_subcores=_NS)

    @functools.partial(
        pl.kernel,
        out_type=jax.ShapeDtypeStruct((_B * _D,), jnp.float32),
        mesh=mesh,
        scratch_types=[
            pltpu.VMEM((_CHUNK,), jnp.int32),
            pltpu.VMEM((_CHUNK,), jnp.int32),
            pltpu.VMEM((_CHUNK, _D), jnp.float32),
            pltpu.VMEM((_CHUNK, _D), jnp.float32),
            pltpu.VMEM((_R * _D,), jnp.float32),
            pltpu.SemaphoreType.DMA,
            pltpu.SemaphoreType.DMA,
        ],
        compiler_params=pltpu.CompilerParams(use_tc_tiling_on_sc=False),
    )
    def k(idx_hbm, table_hbm, sums_hbm,
          idx_v0, idx_v1, rows_v0, rows_v1, out_v, sem0, sem1):
        wid = lax.axis_index("s") * _NC + lax.axis_index("c")
        tok0 = wid * _RPW * _S
        zero16 = jnp.zeros((16,), jnp.float32)
        bufs = ((idx_v0, rows_v0, sem0),
                (idx_v1, rows_v1, sem1))

        def gather_copy(buf):
            idx_v, rows_v, sem = buf
            return pltpu.make_async_copy(
                table_hbm.at[plsc.Indices(idx_v, ignored_value=_SENT)],
                rows_v, sem)

        def stage(buf, c):
            idx_v, rows_v, sem = buf
            off = tok0 + c * _CHUNK
            pltpu.sync_copy(idx_hbm.at[pl.ds(off, _CHUNK)], idx_v)

            def zero_body(i, carry):
                t = i * 4
                for j in range(4):
                    rows_v[t + j, pl.ds(0, 16)] = zero16
                    rows_v[t + j, pl.ds(16, 16)] = zero16
                return carry

            lax.fori_loop(0, _CHUNK // 4, zero_body, 0)
            gather_copy(buf).start()

        def finish(buf, c):
            _, rows_v, _ = buf
            gather_copy(buf).wait()

            for r in range(_R):
                base = r * _S

                def acc_body(i, carry):
                    a0, a1, b0, b1 = carry
                    t = base + i * 2
                    a0 = a0 + rows_v[t, pl.ds(0, 16)]
                    a1 = a1 + rows_v[t, pl.ds(16, 16)]
                    b0 = b0 + rows_v[t + 1, pl.ds(0, 16)]
                    b1 = b1 + rows_v[t + 1, pl.ds(16, 16)]
                    return (a0, a1, b0, b1)

                a0, a1, b0, b1 = lax.fori_loop(
                    0, _S // 2, acc_body, (zero16, zero16, zero16, zero16))
                out_v[pl.ds(r * _D, 16)] = a0 + b0
                out_v[pl.ds(r * _D + 16, 16)] = a1 + b1

            row0 = wid * _RPW + c * _R
            pltpu.sync_copy(out_v, sums_hbm.at[pl.ds(row0 * _D, _R * _D)])

        stage(bufs[0], 0)

        def pair_body(i, carry):
            c = i * 2
            stage(bufs[1], c + 1)
            finish(bufs[0], c)

            @pl.when(i < _NCH // 2 - 1)
            def _():
                stage(bufs[0], c + 2)

            finish(bufs[1], c + 1)
            return carry

        lax.fori_loop(0, _NCH // 2, pair_body, 0)

    return k(idx_flat, table)


def _tc_finish(mask2d, sums2d, w, bias):
    bm = 1024

    def body(mask_ref, sums_ref, w_ref, b_ref, out_ref):
        cnt = jnp.sum(mask_ref[...].astype(jnp.float32), axis=1, keepdims=True)
        pooled = sums_ref[...] / jnp.maximum(cnt, 1.0)
        y = jnp.dot(pooled, w_ref[...], preferred_element_type=jnp.float32)
        out_ref[...] = jnp.tanh(y + b_ref[...]) * math.pi

    return pl.pallas_call(
        body,
        grid=(_B // bm,),
        in_specs=[
            pl.BlockSpec((bm, _S), lambda i: (i, 0)),
            pl.BlockSpec((bm, _D), lambda i: (i, 0)),
            pl.BlockSpec((_D, _NQ), lambda i: (0, 0)),
            pl.BlockSpec((1, _NQ), lambda i: (0, 0)),
        ],
        out_specs=pl.BlockSpec((bm, _NQ), lambda i: (i, 0)),
        out_shape=jax.ShapeDtypeStruct((_B, _NQ), jnp.float32),
    )(mask2d, sums2d, w, bias.reshape(1, _NQ))


def kernel(input_ids, attention_mask, emb_table, W, b):
    idx_flat = jnp.where(attention_mask == 0, _SENT, input_ids).reshape(-1)
    sums = _sc_sums(idx_flat, emb_table).reshape(_B, _D)
    return _tc_finish(attention_mask, sums, W, b)

# --- scband reference (transcript-rebuilt; emitter-appended) ---
"""Pipeline reference for scband-feature-encoder-53369263620425 (READ-ONLY COPY).

The authoritative reference and input builder live on the scoring server;
editing this copy changes nothing except your own understanding.
"""

import jax, jax.numpy as jnp
import numpy as np

VOCAB = 1000000
D_EMB = 32
N_QUBITS = 16
BATCH = 16384
SEQ = 200


def setup_inputs(seed: int = 0) -> dict:
    key = jax.random.key(seed)
    k1, k2, k3, k4 = jax.random.split(key, 4)
    input_ids = jax.random.randint(k1, (BATCH, SEQ), 0, VOCAB, dtype=jnp.int64 if jax.config.jax_enable_x64 else jnp.int32).astype(jnp.int32)
    attention_mask = jax.random.randint(k2, (BATCH, SEQ), 0, 2, dtype=jnp.int32)
    emb_table = jax.random.normal(k3, (VOCAB, D_EMB), dtype=jnp.float32) * 0.02
    emb_table = emb_table.at[0].set(0.0)  # padding_idx=0
    W = jax.random.normal(k4, (D_EMB, N_QUBITS), dtype=jnp.float32) * (1.0 / np.sqrt(D_EMB))
    b = jnp.zeros((N_QUBITS,), dtype=jnp.float32)
    return {"input_ids": input_ids, "attention_mask": attention_mask, "emb_table": emb_table, "W": W, "b": b}


def reference(input_ids, attention_mask, emb_table, W, b):
    # tokens -> embedding -> masked mean pool -> linear -> tanh -> scaled angles
    x = jnp.take(emb_table, input_ids, axis=0)            # [B, S, d_emb] gather
    mask = attention_mask[..., None].astype(jnp.float32)  # [B, S, 1]
    x = (x * mask).sum(axis=1) / jnp.clip(mask.sum(axis=1), 1.0, None)
    x = jnp.tanh(x @ W + b) * np.pi
    return x

if __name__ == "__main__":
    import jax
    _d = setup_inputs()
    print(jax.jit(kernel)(*tuple(_d.values())))

</pallas_src>

<mosaic_0001>
#map = affine_map<(d0, d1) -> (0)>
#map1 = affine_map<(d0, d1) -> (0, 0)>
module attributes {stable_mosaic.version = 14 : i64} {
  func.func @k(%arg0: i32, %arg1: i32, %arg2: memref<3276800xi32, #tpu.memory_space<hbm>>, %arg3: memref<1000000x32xf32, #tpu.memory_space<hbm>>, %arg4: memref<524288xf32, #tpu.memory_space<hbm>>, %arg5: memref<1600xi32, #tpu.memory_space<vmem>>, %arg6: memref<1600xi32, #tpu.memory_space<vmem>>, %arg7: memref<1600x32xf32, #tpu.memory_space<vmem>>, %arg8: memref<1600x32xf32, #tpu.memory_space<vmem>>, %arg9: memref<256xf32, #tpu.memory_space<vmem>>, %arg10: memref<!tpu.dma_semaphore, #tpu.memory_space<semaphore_mem>>, %arg11: memref<!tpu.dma_semaphore, #tpu.memory_space<semaphore_mem>>) attributes {dimension_semantics = [#tpu.dimension_semantics<core_parallel>, #tpu.dimension_semantics<subcore_parallel>], iteration_bounds = array<i64: 2, 16>, scalar_prefetch = 0 : i64, scratch_operands = 7 : i64, tpu.core_type = #tpu.core_type<sc_vector_subcore>, window_params = [{transform_indices = #map}, {transform_indices = #map1}, {transform_indices = #map}]} {
    %mul3A = arith.constant 2 : i32
    %mul3A_0 = arith.muli %arg1, %mul3A : i32
    %add3A = arith.addi %mul3A_0, %arg0 : i32
    %mul3A_1 = arith.constant 512 : i32
    %mul3A_2 = arith.muli %add3A, %mul3A_1 : i32
    %mul3A_3 = arith.constant 200 : i32
    %mul3A_4 = arith.muli %mul3A_2, %mul3A_3 : i32
    %broadcast_in_dim3A = arith.constant 0.000000e+00 : f32
    %broadcast_in_dim3A_5 = vector.broadcast %broadcast_in_dim3A : f32 to vector<16xf32>
    %add3A_6 = arith.constant 0 : i32
    %add3A_7 = arith.addi %mul3A_4, %add3A_6 : i32
    "tpu.region"() ({
      %run_scoped3A = tpu.sem_alloc : memref<!tpu.dma_semaphore, #tpu.memory_space<semaphore_mem>>
      %dma_start3A_22 = tpu.memref_slice %arg2[%add3A_7] : memref<3276800xi32, #tpu.memory_space<hbm>> -> memref<1600xi32, #tpu.memory_space<hbm>>
      %dma_start3A_23 = tpu.memref_slice %arg2[%add3A_7] : memref<3276800xi32, #tpu.memory_space<hbm>> -> memref<1600xi32, #tpu.memory_space<hbm>>
      tpu.enqueue_dma source(%dma_start3A_23 : memref<1600xi32, #tpu.memory_space<hbm>>) target(%arg5 : memref<1600xi32, #tpu.memory_space<vmem>>) target_semaphore(%run_scoped3A : memref<!tpu.dma_semaphore, #tpu.memory_space<semaphore_mem>>)
      %dma_wait3A = tpu.memref_slice %arg2[%add3A_7] : memref<3276800xi32, #tpu.memory_space<hbm>> -> memref<1600xi32, #tpu.memory_space<hbm>>
      %dma_wait3A_24 = tpu.memref_slice %arg2[%add3A_7] : memref<3276800xi32, #tpu.memory_space<hbm>> -> memref<1600xi32, #tpu.memory_space<hbm>>
      tpu.wait_dma2 semaphore(%run_scoped3A : memref<!tpu.dma_semaphore, #tpu.memory_space<semaphore_mem>>) src(%dma_wait3A_24 : memref<1600xi32, #tpu.memory_space<hbm>>) dst(%arg5 : memref<1600xi32, #tpu.memory_space<vmem>>)
      tpu.yield
    }) : () -> ()
    %scan3A = arith.constant 0 : i32
    %scan3A_8 = arith.constant 0 : i32
    %scan3A_9 = arith.constant 400 : i32
    %scan3A_10 = arith.addi %scan3A_8, %scan3A_9 : i32
    %scan3A_11 = arith.constant 1 : i32
    scf.for %scan3A_22 = %scan3A_8 to %scan3A_10 step %scan3A_11  : i32 {
      %mul3A_23 = arith.constant 4 : i32
      %mul3A_24 = arith.muli %scan3A_22, %mul3A_23 : i32
      %add3A_25 = arith.constant 0 : i32
      %add3A_26 = arith.addi %mul3A_24, %add3A_25 : i32
      %swap3A = arith.index_cast %add3A_26 : i32 to index
      %swap3A_27 = arith.constant 0 : index
      %swap3A_28 = tpu.vector_load %arg7[%swap3A, %swap3A_27] {strides = array<i32>} : memref<1600x32xf32, #tpu.memory_space<vmem>>, vector<1x16xf32>,
      %swap3A_29 = vector.shape_cast %swap3A_28 : vector<1x16xf32> to vector<16xf32>
      %swap3A_30 = vector.shape_cast %broadcast_in_dim3A_5 : vector<16xf32> to vector<1x16xf32>
      tpu.vector_store %arg7[%swap3A, %swap3A_27], %swap3A_30 {strides = array<i32>} : memref<1600x32xf32, #tpu.memory_space<vmem>>, vector<1x16xf32>,
      %add3A_31 = arith.constant 0 : i32
      %add3A_32 = arith.addi %mul3A_24, %add3A_31 : i32
      %swap3A_33 = arith.index_cast %add3A_32 : i32 to index
      %swap3A_34 = arith.constant 16 : index
      %swap3A_35 = tpu.vector_load %arg7[%swap3A_33, %swap3A_34] {strides = array<i32>} : memref<1600x32xf32, #tpu.memory_space<vmem>>, vector<1x16xf32>,
      %swap3A_36 = vector.shape_cast %swap3A_35 : vector<1x16xf32> to vector<16xf32>
      %swap3A_37 = vector.shape_cast %broadcast_in_dim3A_5 : vector<16xf32> to vector<1x16xf32>
      tpu.vector_store %arg7[%swap3A_33, %swap3A_34], %swap3A_37 {strides = array<i32>} : memref<1600x32xf32, #tpu.memory_space<vmem>>, vector<1x16xf32>,
      %add3A_38 = arith.constant 1 : i32
      %add3A_39 = arith.addi %mul3A_24, %add3A_38 : i32
      %swap3A_40 = arith.index_cast %add3A_39 : i32 to index
      %swap3A_41 = arith.constant 0 : index
      %swap3A_42 = tpu.vector_load %arg7[%swap3A_40, %swap3A_41] {strides = array<i32>} : memref<1600x32xf32, #tpu.memory_space<vmem>>, vector<1x16xf32>,
      %swap3A_43 = vector.shape_cast %swap3A_42 : vector<1x16xf32> to vector<16xf32>
      %swap3A_44 = vector.shape_cast %broadcast_in_dim3A_5 : vector<16xf32> to vector<1x16xf32>
      tpu.vector_store %arg7[%swap3A_40, %swap3A_41], %swap3A_44 {strides = array<i32>} : memref<1600x32xf32, #tpu.memory_space<vmem>>, vector<1x16xf32>,
      %add3A_45 = arith.constant 1 : i32
      %add3A_46 = arith.addi %mul3A_24, %add3A_45 : i32
      %swap3A_47 = arith.index_cast %add3A_46 : i32 to index
      %swap3A_48 = arith.constant 16 : index
      %swap3A_49 = tpu.vector_load %arg7[%swap3A_47, %swap3A_48] {strides = array<i32>} : memref<1600x32xf32, #tpu.memory_space<vmem>>, vector<1x16xf32>,
      %swap3A_50 = vector.shape_cast %swap3A_49 : vector<1x16xf32> to vector<16xf32>
      %swap3A_51 = vector.shape_cast %broadcast_in_dim3A_5 : vector<16xf32> to vector<1x16xf32>
      tpu.vector_store %arg7[%swap3A_47, %swap3A_48], %swap3A_51 {strides = array<i32>} : memref<1600x32xf32, #tpu.memory_space<vmem>>, vector<1x16xf32>,
      %add3A_52 = arith.constant 2 : i32
      %add3A_53 = arith.addi %mul3A_24, %add3A_52 : i32
      %swap3A_54 = arith.index_cast %add3A_53 : i32 to index
      %swap3A_55 = arith.constant 0 : index
      %swap3A_56 = tpu.vector_load %arg7[%swap3A_54, %swap3A_55] {strides = array<i32>} : memref<1600x32xf32, #tpu.memory_space<vmem>>, vector<1x16xf32>,
      %swap3A_57 = vector.shape_cast %swap3A_56 : vector<1x16xf32> to vector<16xf32>
      %swap3A_58 = vector.shape_cast %broadcast_in_dim3A_5 : vector<16xf32> to vector<1x16xf32>
      tpu.vector_store %arg7[%swap3A_54, %swap3A_55], %swap3A_58 {strides = array<i32>} : memref<1600x32xf32, #tpu.memory_space<vmem>>, vector<1x16xf32>,
      %add3A_59 = arith.constant 2 : i32
      %add3A_60 = arith.addi %mul3A_24, %add3A_59 : i32
      %swap3A_61 = arith.index_cast %add3A_60 : i32 to index
      %swap3A_62 = arith.constant 16 : index
      %swap3A_63 = tpu.vector_load %arg7[%swap3A_61, %swap3A_62] {strides = array<i32>} : memref<1600x32xf32, #tpu.memory_space<vmem>>, vector<1x16xf32>,
      %swap3A_64 = vector.shape_cast %swap3A_63 : vector<1x16xf32> to vector<16xf32>
      %swap3A_65 = vector.shape_cast %broadcast_in_dim3A_5 : vector<16xf32> to vector<1x16xf32>
      tpu.vector_store %arg7[%swap3A_61, %swap3A_62], %swap3A_65 {strides = array<i32>} : memref<1600x32xf32, #tpu.memory_space<vmem>>, vector<1x16xf32>,
      %add3A_66 = arith.constant 3 : i32
      %add3A_67 = arith.addi %mul3A_24, %add3A_66 : i32
      %swap3A_68 = arith.index_cast %add3A_67 : i32 to index
      %swap3A_69 = arith.constant 0 : index
      %swap3A_70 = tpu.vector_load %arg7[%swap3A_68, %swap3A_69] {strides = array<i32>} : memref<1600x32xf32, #tpu.memory_space<vmem>>, vector<1x16xf32>,
      %swap3A_71 = vector.shape_cast %swap3A_70 : vector<1x16xf32> to vector<16xf32>
      %swap3A_72 = vector.shape_cast %broadcast_in_dim3A_5 : vector<16xf32> to vector<1x16xf32>
      tpu.vector_store %arg7[%swap3A_68, %swap3A_69], %swap3A_72 {strides = array<i32>} : memref<1600x32xf32, #tpu.memory_space<vmem>>, vector<1x16xf32>,
      %add3A_73 = arith.constant 3 : i32
      %add3A_74 = arith.addi %mul3A_24, %add3A_73 : i32
      %swap3A_75 = arith.index_cast %add3A_74 : i32 to index
      %swap3A_76 = arith.constant 16 : index
      %swap3A_77 = tpu.vector_load %arg7[%swap3A_75, %swap3A_76] {strides = array<i32>} : memref<1600x32xf32, #tpu.memory_space<vmem>>, vector<1x16xf32>,
      %swap3A_78 = vector.shape_cast %swap3A_77 : vector<1x16xf32> to vector<16xf32>
      %swap3A_79 = vector.shape_cast %broadcast_in_dim3A_5 : vector<16xf32> to vector<1x16xf32>
      tpu.vector_store %arg7[%swap3A_75, %swap3A_76], %swap3A_79 {strides = array<i32>} : memref<1600x32xf32, #tpu.memory_space<vmem>>, vector<1x16xf32>,
    }
    %scan3A_12 = arith.constant 400 : i32
    %dma_start3A = arith.constant 0 : i32
    %dma_start3A_13 = arith.constant 0 : i32
    %dma_start3A_14 = tpu.memref_slice %arg3[%dma_start3A, %dma_start3A_13] : memref<1000000x32xf32, #tpu.memory_space<hbm>> -> memref<1000000x32xf32, #tpu.memory_space<hbm>>
    %dma_start3A_15 = arith.constant 2147483647 : i32
    tpu.enqueue_indirect_dma source(%dma_start3A_14 : memref<1000000x32xf32, #tpu.memory_space<hbm>>) target(%arg7 : memref<1600x32xf32, #tpu.memory_space<vmem>>) offsets(%arg5 : memref<1600xi32, #tpu.memory_space<vmem>>) offset_filter(%dma_start3A_15) semaphore(%arg10 : memref<!tpu.dma_semaphore, #tpu.memory_space<semaphore_mem>>)
    %scan3A_16 = arith.constant 0 : i32
    %scan3A_17 = arith.constant 0 : i32
    %scan3A_18 = arith.constant 32 : i32
    %scan3A_19 = arith.addi %scan3A_17, %scan3A_18 : i32
    %scan3A_20 = arith.constant 1 : i32
    scf.for %scan3A_22 = %scan3A_17 to %scan3A_19 step %scan3A_20  : i32 {
      %mul3A_23 = arith.constant 2 : i32
      %mul3A_24 = arith.muli %scan3A_22, %mul3A_23 : i32
      %add3A_25 = arith.constant 1 : i32
      %add3A_26 = arith.addi %mul3A_24, %add3A_25 : i32
      %mul3A_27 = arith.constant 1600 : i32
      %mul3A_28 = arith.muli %add3A_26, %mul3A_27 : i32
      %add3A_29 = arith.addi %mul3A_4, %mul3A_28 : i32
      "tpu.region"() ({
        %run_scoped3A = tpu.sem_alloc : memref<!tpu.dma_semaphore, #tpu.memory_space<semaphore_mem>>
        %dma_start3A_318 = tpu.memref_slice %arg2[%add3A_29] : memref<3276800xi32, #tpu.memory_space<hbm>> -> memref<1600xi32, #tpu.memory_space<hbm>>
        %dma_start3A_319 = tpu.memref_slice %arg2[%add3A_29] : memref<3276800xi32, #tpu.memory_space<hbm>> -> memref<1600xi32, #tpu.memory_space<hbm>>
        tpu.enqueue_dma source(%dma_start3A_319 : memref<1600xi32, #tpu.memory_space<hbm>>) target(%arg6 : memref<1600xi32, #tpu.memory_space<vmem>>) target_semaphore(%run_scoped3A : memref<!tpu.dma_semaphore, #tpu.memory_space<semaphore_mem>>)
        %dma_wait3A_320 = tpu.memref_slice %arg2[%add3A_29] : memref<3276800xi32, #tpu.memory_space<hbm>> -> memref<1600xi32, #tpu.memory_space<hbm>>
        %dma_wait3A_321 = tpu.memref_slice %arg2[%add3A_29] : memref<3276800xi32, #tpu.memory_space<hbm>> -> memref<1600xi32, #tpu.memory_space<hbm>>
        tpu.wait_dma2 semaphore(%run_scoped3A : memref<!tpu.dma_semaphore, #tpu.memory_space<semaphore_mem>>) src(%dma_wait3A_321 : memref<1600xi32, #tpu.memory_space<hbm>>) dst(%arg6 : memref<1600xi32, #tpu.memory_space<vmem>>)
        tpu.yield
      }) : () -> ()
      %scan3A_30 = arith.constant 0 : i32
      %scan3A_31 = arith.constant 0 : i32
      %scan3A_32 = arith.constant 400 : i32
      %scan3A_33 = arith.addi %scan3A_31, %scan3A_32 : i32
      %scan3A_34 = arith.constant 1 : i32
      scf.for %scan3A_318 = %scan3A_31 to %scan3A_33 step %scan3A_34  : i32 {
        %mul3A_319 = arith.constant 4 : i32
        %mul3A_320 = arith.muli %scan3A_318, %mul3A_319 : i32
        %add3A_321 = arith.constant 0 : i32
        %add3A_322 = arith.addi %mul3A_320, %add3A_321 : i32
        %swap3A_323 = arith.index_cast %add3A_322 : i32 to index
        %swap3A_324 = arith.constant 0 : index
        %swap3A_325 = tpu.vector_load %arg8[%swap3A_323, %swap3A_324] {strides = array<i32>} : memref<1600x32xf32, #tpu.memory_space<vmem>>, vector<1x16xf32>,
        %swap3A_326 = vector.shape_cast %swap3A_325 : vector<1x16xf32> to vector<16xf32>
        %swap3A_327 = vector.shape_cast %broadcast_in_dim3A_5 : vector<16xf32> to vector<1x16xf32>
        tpu.vector_store %arg8[%swap3A_323, %swap3A_324], %swap3A_327 {strides = array<i32>} : memref<1600x32xf32, #tpu.memory_space<vmem>>, vector<1x16xf32>,
        %add3A_328 = arith.constant 0 : i32
        %add3A_329 = arith.addi %mul3A_320, %add3A_328 : i32
        %swap3A_330 = arith.index_cast %add3A_329 : i32 to index
        %swap3A_331 = arith.constant 16 : index
        %swap3A_332 = tpu.vector_load %arg8[%swap3A_330, %swap3A_331] {strides = array<i32>} : memref<1600x32xf32, #tpu.memory_space<vmem>>, vector<1x16xf32>,
        %swap3A_333 = vector.shape_cast %swap3A_332 : vector<1x16xf32> to vector<16xf32>
        %swap3A_334 = vector.shape_cast %broadcast_in_dim3A_5 : vector<16xf32> to vector<1x16xf32>
        tpu.vector_store %arg8[%swap3A_330, %swap3A_331], %swap3A_334 {strides = array<i32>} : memref<1600x32xf32, #tpu.memory_space<vmem>>, vector<1x16xf32>,
        %add3A_335 = arith.constant 1 : i32
        %add3A_336 = arith.addi %mul3A_320, %add3A_335 : i32
        %swap3A_337 = arith.index_cast %add3A_336 : i32 to index
        %swap3A_338 = arith.constant 0 : index
        %swap3A_339 = tpu.vector_load %arg8[%swap3A_337, %swap3A_338] {strides = array<i32>} : memref<1600x32xf32, #tpu.memory_space<vmem>>, vector<1x16xf32>,
        %swap3A_340 = vector.shape_cast %swap3A_339 : vector<1x16xf32> to vector<16xf32>
        %swap3A_341 = vector.shape_cast %broadcast_in_dim3A_5 : vector<16xf32> to vector<1x16xf32>
        tpu.vector_store %arg8[%swap3A_337, %swap3A_338], %swap3A_341 {strides = array<i32>} : memref<1600x32xf32, #tpu.memory_space<vmem>>, vector<1x16xf32>,
        %add3A_342 = arith.constant 1 : i32
        %add3A_343 = arith.addi %mul3A_320, %add3A_342 : i32
        %swap3A_344 = arith.index_cast %add3A_343 : i32 to index
        %swap3A_345 = arith.constant 16 : index
        %swap3A_346 = tpu.vector_load %arg8[%swap3A_344, %swap3A_345] {strides = array<i32>} : memref<1600x32xf32, #tpu.memory_space<vmem>>, vector<1x16xf32>,
        %swap3A_347 = vector.shape_cast %swap3A_346 : vector<1x16xf32> to vector<16xf32>
        %swap3A_348 = vector.shape_cast %broadcast_in_dim3A_5 : vector<16xf32> to vector<1x16xf32>
        tpu.vector_store %arg8[%swap3A_344, %swap3A_345], %swap3A_348 {strides = array<i32>} : memref<1600x32xf32, #tpu.memory_space<vmem>>, vector<1x16xf32>,
        %add3A_349 = arith.constant 2 : i32
        %add3A_350 = arith.addi %mul3A_320, %add3A_349 : i32
        %swap3A_351 = arith.index_cast %add3A_350 : i32 to index
        %swap3A_352 = arith.constant 0 : index
        %swap3A_353 = tpu.vector_load %arg8[%swap3A_351, %swap3A_352] {strides = array<i32>} : memref<1600x32xf32, #tpu.memory_space<vmem>>, vector<1x16xf32>,
        %swap3A_354 = vector.shape_cast %swap3A_353 : vector<1x16xf32> to vector<16xf32>
        %swap3A_355 = vector.shape_cast %broadcast_in_dim3A_5 : vector<16xf32> to vector<1x16xf32>
        tpu.vector_store %arg8[%swap3A_351, %swap3A_352], %swap3A_355 {strides = array<i32>} : memref<1600x32xf32, #tpu.memory_space<vmem>>, vector<1x16xf32>,
        %add3A_356 = arith.constant 2 : i32
        %add3A_357 = arith.addi %mul3A_320, %add3A_356 : i32
        %swap3A_358 = arith.index_cast %add3A_357 : i32 to index
        %swap3A_359 = arith.constant 16 : index
        %swap3A_360 = tpu.vector_load %arg8[%swap3A_358, %swap3A_359] {strides = array<i32>} : memref<1600x32xf32, #tpu.memory_space<vmem>>, vector<1x16xf32>,
        %swap3A_361 = vector.shape_cast %swap3A_360 : vector<1x16xf32> to vector<16xf32>
        %swap3A_362 = vector.shape_cast %broadcast_in_dim3A_5 : vector<16xf32> to vector<1x16xf32>
        tpu.vector_store %arg8[%swap3A_358, %swap3A_359], %swap3A_362 {strides = array<i32>} : memref<1600x32xf32, #tpu.memory_space<vmem>>, vector<1x16xf32>,
        %add3A_363 = arith.constant 3 : i32
        %add3A_364 = arith.addi %mul3A_320, %add3A_363 : i32
        %swap3A_365 = arith.index_cast %add3A_364 : i32 to index
        %swap3A_366 = arith.constant 0 : index
        %swap3A_367 = tpu.vector_load %arg8[%swap3A_365, %swap3A_366] {strides = array<i32>} : memref<1600x32xf32, #tpu.memory_space<vmem>>, vector<1x16xf32>,
        %swap3A_368 = vector.shape_cast %swap3A_367 : vector<1x16xf32> to vector<16xf32>
        %swap3A_369 = vector.shape_cast %broadcast_in_dim3A_5 : vector<16xf32> to vector<1x16xf32>
        tpu.vector_store %arg8[%swap3A_365, %swap3A_366], %swap3A_369 {strides = array<i32>} : memref<1600x32xf32, #tpu.memory_space<vmem>>, vector<1x16xf32>,
        %add3A_370 = arith.constant 3 : i32
        %add3A_371 = arith.addi %mul3A_320, %add3A_370 : i32
        %swap3A_372 = arith.index_cast %add3A_371 : i32 to index
        %swap3A_373 = arith.constant 16 : index
        %swap3A_374 = tpu.vector_load %arg8[%swap3A_372, %swap3A_373] {strides = array<i32>} : memref<1600x32xf32, #tpu.memory_space<vmem>>, vector<1x16xf32>,
        %swap3A_375 = vector.shape_cast %swap3A_374 : vector<1x16xf32> to vector<16xf32>
        %swap3A_376 = vector.shape_cast %broadcast_in_dim3A_5 : vector<16xf32> to vector<1x16xf32>
        tpu.vector_store %arg8[%swap3A_372, %swap3A_373], %swap3A_376 {strides = array<i32>} : memref<1600x32xf32, #tpu.memory_space<vmem>>, vector<1x16xf32>,
      }
      %scan3A_35 = arith.constant 400 : i32
      %dma_start3A_36 = arith.constant 0 : i32
      %dma_start3A_37 = arith.constant 0 : i32
      %dma_start3A_38 = tpu.memref_slice %arg3[%dma_start3A_36, %dma_start3A_37] : memref<1000000x32xf32, #tpu.memory_space<hbm>> -> memref<1000000x32xf32, #tpu.memory_space<hbm>>
      %dma_start3A_39 = arith.constant 2147483647 : i32
      tpu.enqueue_indirect_dma source(%dma_start3A_38 : memref<1000000x32xf32, #tpu.memory_space<hbm>>) target(%arg8 : memref<1600x32xf32, #tpu.memory_space<vmem>>) offsets(%arg6 : memref<1600xi32, #tpu.memory_space<vmem>>) offset_filter(%dma_start3A_39) semaphore(%arg11 : memref<!tpu.dma_semaphore, #tpu.memory_space<semaphore_mem>>)
      %dma_wait3A = arith.constant 0 : i32
      %dma_wait3A_40 = arith.constant 0 : i32
      %dma_wait3A_41 = tpu.memref_slice %arg3[%dma_wait3A, %dma_wait3A_40] : memref<1000000x32xf32, #tpu.memory_space<hbm>> -> memref<1000000x32xf32, #tpu.memory_space<hbm>>
      tpu.wait_indirect_dma semaphore(%arg10 : memref<!tpu.dma_semaphore, #tpu.memory_space<semaphore_mem>>) src(%dma_wait3A_41 : memref<1000000x32xf32, #tpu.memory_space<hbm>>) dst(%arg7 : memref<1600x32xf32, #tpu.memory_space<vmem>>)
      %scan3A_42 = arith.constant 0 : i32
      %scan3A_43 = arith.constant 100 : i32
      %scan3A_44 = arith.addi %scan3A_42, %scan3A_43 : i32
      %scan3A_45 = arith.constant 1 : i32
      %scan3A_46:4 = scf.for %scan3A_318 = %scan3A_42 to %scan3A_44 step %scan3A_45 iter_args(%scan3A_319 = %broadcast_in_dim3A_5, %scan3A_320 = %broadcast_in_dim3A_5, %scan3A_321 = %broadcast_in_dim3A_5, %scan3A_322 = %broadcast_in_dim3A_5) -> (vector<16xf32>, vector<16xf32>, vector<16xf32>, vector<16xf32>)  : i32 {
        %mul3A_323 = arith.constant 2 : i32
        %mul3A_324 = arith.muli %scan3A_318, %mul3A_323 : i32
        %add3A_325 = arith.constant 0 : i32
        %add3A_326 = arith.addi %add3A_325, %mul3A_324 : i32
        %get3A = arith.index_cast %add3A_326 : i32 to index
        %get3A_327 = arith.constant 0 : index
        %get3A_328 = tpu.vector_load %arg7[%get3A, %get3A_327] {strides = array<i32>} : memref<1600x32xf32, #tpu.memory_space<vmem>>, vector<1x16xf32>,
        %get3A_329 = vector.shape_cast %get3A_328 : vector<1x16xf32> to vector<16xf32>
        %add3A_330 = arith.addf %scan3A_319, %get3A_329 : vector<16xf32>
        %get3A_331 = arith.index_cast %add3A_326 : i32 to index
        %get3A_332 = arith.constant 16 : index
        %get3A_333 = tpu.vector_load %arg7[%get3A_331, %get3A_332] {strides = array<i32>} : memref<1600x32xf32, #tpu.memory_space<vmem>>, vector<1x16xf32>,
        %get3A_334 = vector.shape_cast %get3A_333 : vector<1x16xf32> to vector<16xf32>
        %add3A_335 = arith.addf %scan3A_320, %get3A_334 : vector<16xf32>
        %add3A_336 = arith.constant 1 : i32
        %add3A_337 = arith.addi %add3A_326, %add3A_336 : i32
        %get3A_338 = arith.index_cast %add3A_337 : i32 to index
        %get3A_339 = arith.constant 0 : index
        %get3A_340 = tpu.vector_load %arg7[%get3A_338, %get3A_339] {strides = array<i32>} : memref<1600x32xf32, #tpu.memory_space<vmem>>, vector<1x16xf32>,
        %get3A_341 = vector.shape_cast %get3A_340 : vector<1x16xf32> to vector<16xf32>
        %add3A_342 = arith.addf %scan3A_321, %get3A_341 : vector<16xf32>
        %add3A_343 = arith.constant 1 : i32
        %add3A_344 = arith.addi %add3A_326, %add3A_343 : i32
        %get3A_345 = arith.index_cast %add3A_344 : i32 to index
        %get3A_346 = arith.constant 16 : index
        %get3A_347 = tpu.vector_load %arg7[%get3A_345, %get3A_346] {strides = array<i32>} : memref<1600x32xf32, #tpu.memory_space<vmem>>, vector<1x16xf32>,
        %get3A_348 = vector.shape_cast %get3A_347 : vector<1x16xf32> to vector<16xf32>
        %add3A_349 = arith.addf %scan3A_322, %get3A_348 : vector<16xf32>
        scf.yield %add3A_330, %add3A_335, %add3A_342, %add3A_349 : vector<16xf32>, vector<16xf32>, vector<16xf32>, vector<16xf32>
      }
      %scan3A_47 = arith.constant 100 : i32
      %add3A_48 = arith.addf %scan3A_46#0, %scan3A_46#2 : vector<16xf32>
      %swap3A = arith.constant 0 : index
      %swap3A_49 = tpu.vector_load %arg9[%swap3A] {strides = array<i32>} : memref<256xf32, #tpu.memory_space<vmem>>, vector<16xf32>,
      %swap3A_50 = vector.shape_cast %swap3A_49 : vector<16xf32> to vector<16xf32>
      %swap3A_51 = vector.shape_cast %add3A_48 : vector<16xf32> to vector<16xf32>
      tpu.vector_store %arg9[%swap3A], %swap3A_51 {strides = array<i32>} : memref<256xf32, #tpu.memory_space<vmem>>, vector<16xf32>,
      %add3A_52 = arith.addf %scan3A_46#1, %scan3A_46#3 : vector<16xf32>
      %swap3A_53 = arith.constant 16 : index
      %swap3A_54 = tpu.vector_load %arg9[%swap3A_53] {strides = array<i32>} : memref<256xf32, #tpu.memory_space<vmem>>, vector<16xf32>,
      %swap3A_55 = vector.shape_cast %swap3A_54 : vector<16xf32> to vector<16xf32>
      %swap3A_56 = vector.shape_cast %add3A_52 : vector<16xf32> to vector<16xf32>
      tpu.vector_store %arg9[%swap3A_53], %swap3A_56 {strides = array<i32>} : memref<256xf32, #tpu.memory_space<vmem>>, vector<16xf32>,
      %scan3A_57 = arith.constant 0 : i32
      %scan3A_58 = arith.constant 100 : i32
      %scan3A_59 = arith.addi %scan3A_57, %scan3A_58 : i32
      %scan3A_60 = arith.constant 1 : i32
      %scan3A_61:4 = scf.for %scan3A_318 = %scan3A_57 to %scan3A_59 step %scan3A_60 iter_args(%scan3A_319 = %broadcast_in_dim3A_5, %scan3A_320 = %broadcast_in_dim3A_5, %scan3A_321 = %broadcast_in_dim3A_5, %scan3A_322 = %broadcast_in_dim3A_5) -> (vector<16xf32>, vector<16xf32>, vector<16xf32>, vector<16xf32>)  : i32 {
        %mul3A_323 = arith.constant 2 : i32
        %mul3A_324 = arith.muli %scan3A_318, %mul3A_323 : i32
        %add3A_325 = arith.constant 200 : i32
        %add3A_326 = arith.addi %add3A_325, %mul3A_324 : i32
        %get3A = arith.index_cast %add3A_326 : i32 to index
        %get3A_327 = arith.constant 0 : index
        %get3A_328 = tpu.vector_load %arg7[%get3A, %get3A_327] {strides = array<i32>} : memref<1600x32xf32, #tpu.memory_space<vmem>>, vector<1x16xf32>,
        %get3A_329 = vector.shape_cast %get3A_328 : vector<1x16xf32> to vector<16xf32>
        %add3A_330 = arith.addf %scan3A_319, %get3A_329 : vector<16xf32>
        %get3A_331 = arith.index_cast %add3A_326 : i32 to index
        %get3A_332 = arith.constant 16 : index
        %get3A_333 = tpu.vector_load %arg7[%get3A_331, %get3A_332] {strides = array<i32>} : memref<1600x32xf32, #tpu.memory_space<vmem>>, vector<1x16xf32>,
        %get3A_334 = vector.shape_cast %get3A_333 : vector<1x16xf32> to vector<16xf32>
        %add3A_335 = arith.addf %scan3A_320, %get3A_334 : vector<16xf32>
        %add3A_336 = arith.constant 1 : i32
        %add3A_337 = arith.addi %add3A_326, %add3A_336 : i32
        %get3A_338 = arith.index_cast %add3A_337 : i32 to index
        %get3A_339 = arith.constant 0 : index
        %get3A_340 = tpu.vector_load %arg7[%get3A_338, %get3A_339] {strides = array<i32>} : memref<1600x32xf32, #tpu.memory_space<vmem>>, vector<1x16xf32>,
        %get3A_341 = vector.shape_cast %get3A_340 : vector<1x16xf32> to vector<16xf32>
        %add3A_342 = arith.addf %scan3A_321, %get3A_341 : vector<16xf32>
        %add3A_343 = arith.constant 1 : i32
        %add3A_344 = arith.addi %add3A_326, %add3A_343 : i32
        %get3A_345 = arith.index_cast %add3A_344 : i32 to index
        %get3A_346 = arith.constant 16 : index
        %get3A_347 = tpu.vector_load %arg7[%get3A_345, %get3A_346] {strides = array<i32>} : memref<1600x32xf32, #tpu.memory_space<vmem>>, vector<1x16xf32>,
        %get3A_348 = vector.shape_cast %get3A_347 : vector<1x16xf32> to vector<16xf32>
        %add3A_349 = arith.addf %scan3A_322, %get3A_348 : vector<16xf32>
        scf.yield %add3A_330, %add3A_335, %add3A_342, %add3A_349 : vector<16xf32>, vector<16xf32>, vector<16xf32>, vector<16xf32>
      }
      %scan3A_62 = arith.constant 100 : i32
      %add3A_63 = arith.addf %scan3A_61#0, %scan3A_61#2 : vector<16xf32>
      %swap3A_64 = arith.constant 32 : index
      %swap3A_65 = tpu.vector_load %arg9[%swap3A_64] {strides = array<i32>} : memref<256xf32, #tpu.memory_space<vmem>>, vector<16xf32>,
      %swap3A_66 = vector.shape_cast %swap3A_65 : vector<16xf32> to vector<16xf32>
      %swap3A_67 = vector.shape_cast %add3A_63 : vector<16xf32> to vector<16xf32>
      tpu.vector_store %arg9[%swap3A_64], %swap3A_67 {strides = array<i32>} : memref<256xf32, #tpu.memory_space<vmem>>, vector<16xf32>,
      %add3A_68 = arith.addf %scan3A_61#1, %scan3A_61#3 : vector<16xf32>
      %swap3A_69 = arith.constant 48 : index
      %swap3A_70 = tpu.vector_load %arg9[%swap3A_69] {strides = array<i32>} : memref<256xf32, #tpu.memory_space<vmem>>, vector<16xf32>,
      %swap3A_71 = vector.shape_cast %swap3A_70 : vector<16xf32> to vector<16xf32>
      %swap3A_72 = vector.shape_cast %add3A_68 : vector<16xf32> to vector<16xf32>
      tpu.vector_store %arg9[%swap3A_69], %swap3A_72 {strides = array<i32>} : memref<256xf32, #tpu.memory_space<vmem>>, vector<16xf32>,
      %scan3A_73 = arith.constant 0 : i32
      %scan3A_74 = arith.constant 100 : i32
      %scan3A_75 = arith.addi %scan3A_73, %scan3A_74 : i32
      %scan3A_76 = arith.constant 1 : i32
      %scan3A_77:4 = scf.for %scan3A_318 = %scan3A_73 to %scan3A_75 step %scan3A_76 iter_args(%scan3A_319 = %broadcast_in_dim3A_5, %scan3A_320 = %broadcast_in_dim3A_5, %scan3A_321 = %broadcast_in_dim3A_5, %scan3A_322 = %broadcast_in_dim3A_5) -> (vector<16xf32>, vector<16xf32>, vector<16xf32>, vector<16xf32>)  : i32 {
        %mul3A_323 = arith.constant 2 : i32
        %mul3A_324 = arith.muli %scan3A_318, %mul3A_323 : i32
        %add3A_325 = arith.constant 400 : i32
        %add3A_326 = arith.addi %add3A_325, %mul3A_324 : i32
        %get3A = arith.index_cast %add3A_326 : i32 to index
        %get3A_327 = arith.constant 0 : index
        %get3A_328 = tpu.vector_load %arg7[%get3A, %get3A_327] {strides = array<i32>} : memref<1600x32xf32, #tpu.memory_space<vmem>>, vector<1x16xf32>,
        %get3A_329 = vector.shape_cast %get3A_328 : vector<1x16xf32> to vector<16xf32>
        %add3A_330 = arith.addf %scan3A_319, %get3A_329 : vector<16xf32>
        %get3A_331 = arith.index_cast %add3A_326 : i32 to index
        %get3A_332 = arith.constant 16 : index
        %get3A_333 = tpu.vector_load %arg7[%get3A_331, %get3A_332] {strides = array<i32>} : memref<1600x32xf32, #tpu.memory_space<vmem>>, vector<1x16xf32>,
        %get3A_334 = vector.shape_cast %get3A_333 : vector<1x16xf32> to vector<16xf32>
        %add3A_335 = arith.addf %scan3A_320, %get3A_334 : vector<16xf32>
        %add3A_336 = arith.constant 1 : i32
        %add3A_337 = arith.addi %add3A_326, %add3A_336 : i32
        %get3A_338 = arith.index_cast %add3A_337 : i32 to index
        %get3A_339 = arith.constant 0 : index
        %get3A_340 = tpu.vector_load %arg7[%get3A_338, %get3A_339] {strides = array<i32>} : memref<1600x32xf32, #tpu.memory_space<vmem>>, vector<1x16xf32>,
        %get3A_341 = vector.shape_cast %get3A_340 : vector<1x16xf32> to vector<16xf32>
        %add3A_342 = arith.addf %scan3A_321, %get3A_341 : vector<16xf32>
        %add3A_343 = arith.constant 1 : i32
        %add3A_344 = arith.addi %add3A_326, %add3A_343 : i32
        %get3A_345 = arith.index_cast %add3A_344 : i32 to index
        %get3A_346 = arith.constant 16 : index
        %get3A_347 = tpu.vector_load %arg7[%get3A_345, %get3A_346] {strides = array<i32>} : memref<1600x32xf32, #tpu.memory_space<vmem>>, vector<1x16xf32>,
        %get3A_348 = vector.shape_cast %get3A_347 : vector<1x16xf32> to vector<16xf32>
        %add3A_349 = arith.addf %scan3A_322, %get3A_348 : vector<16xf32>
        scf.yield %add3A_330, %add3A_335, %add3A_342, %add3A_349 : vector<16xf32>, vector<16xf32>, vector<16xf32>, vector<16xf32>
      }
      %scan3A_78 = arith.constant 100 : i32
      %add3A_79 = arith.addf %scan3A_77#0, %scan3A_77#2 : vector<16xf32>
      %swap3A_80 = arith.constant 64 : index
      %swap3A_81 = tpu.vector_load %arg9[%swap3A_80] {strides = array<i32>} : memref<256xf32, #tpu.memory_space<vmem>>, vector<16xf32>,
      %swap3A_82 = vector.shape_cast %swap3A_81 : vector<16xf32> to vector<16xf32>
      %swap3A_83 = vector.shape_cast %add3A_79 : vector<16xf32> to vector<16xf32>
      tpu.vector_store %arg9[%swap3A_80], %swap3A_83 {strides = array<i32>} : memref<256xf32, #tpu.memory_space<vmem>>, vector<16xf32>,
      %add3A_84 = arith.addf %scan3A_77#1, %scan3A_77#3 : vector<16xf32>
      %swap3A_85 = arith.constant 80 : index
      %swap3A_86 = tpu.vector_load %arg9[%swap3A_85] {strides = array<i32>} : memref<256xf32, #tpu.memory_space<vmem>>, vector<16xf32>,
      %swap3A_87 = vector.shape_cast %swap3A_86 : vector<16xf32> to vector<16xf32>
      %swap3A_88 = vector.shape_cast %add3A_84 : vector<16xf32> to vector<16xf32>
      tpu.vector_store %arg9[%swap3A_85], %swap3A_88 {strides = array<i32>} : memref<256xf32, #tpu.memory_space<vmem>>, vector<16xf32>,
      %scan3A_89 = arith.constant 0 : i32
      %scan3A_90 = arith.constant 100 : i32
      %scan3A_91 = arith.addi %scan3A_89, %scan3A_90 : i32
      %scan3A_92 = arith.constant 1 : i32
      %scan3A_93:4 = scf.for %scan3A_318 = %scan3A_89 to %scan3A_91 step %scan3A_92 iter_args(%scan3A_319 = %broadcast_in_dim3A_5, %scan3A_320 = %broadcast_in_dim3A_5, %scan3A_321 = %broadcast_in_dim3A_5, %scan3A_322 = %broadcast_in_dim3A_5) -> (vector<16xf32>, vector<16xf32>, vector<16xf32>, vector<16xf32>)  : i32 {
        %mul3A_323 = arith.constant 2 : i32
        %mul3A_324 = arith.muli %scan3A_318, %mul3A_323 : i32
        %add3A_325 = arith.constant 600 : i32
        %add3A_326 = arith.addi %add3A_325, %mul3A_324 : i32
        %get3A = arith.index_cast %add3A_326 : i32 to index
        %get3A_327 = arith.constant 0 : index
        %get3A_328 = tpu.vector_load %arg7[%get3A, %get3A_327] {strides = array<i32>} : memref<1600x32xf32, #tpu.memory_space<vmem>>, vector<1x16xf32>,
        %get3A_329 = vector.shape_cast %get3A_328 : vector<1x16xf32> to vector<16xf32>
        %add3A_330 = arith.addf %scan3A_319, %get3A_329 : vector<16xf32>
        %get3A_331 = arith.index_cast %add3A_326 : i32 to index
        %get3A_332 = arith.constant 16 : index
        %get3A_333 = tpu.vector_load %arg7[%get3A_331, %get3A_332] {strides = array<i32>} : memref<1600x32xf32, #tpu.memory_space<vmem>>, vector<1x16xf32>,
        %get3A_334 = vector.shape_cast %get3A_333 : vector<1x16xf32> to vector<16xf32>
        %add3A_335 = arith.addf %scan3A_320, %get3A_334 : vector<16xf32>
        %add3A_336 = arith.constant 1 : i32
        %add3A_337 = arith.addi %add3A_326, %add3A_336 : i32
        %get3A_338 = arith.index_cast %add3A_337 : i32 to index
        %get3A_339 = arith.constant 0 : index
        %get3A_340 = tpu.vector_load %arg7[%get3A_338, %get3A_339] {strides = array<i32>} : memref<1600x32xf32, #tpu.memory_space<vmem>>, vector<1x16xf32>,
        %get3A_341 = vector.shape_cast %get3A_340 : vector<1x16xf32> to vector<16xf32>
        %add3A_342 = arith.addf %scan3A_321, %get3A_341 : vector<16xf32>
        %add3A_343 = arith.constant 1 : i32
        %add3A_344 = arith.addi %add3A_326, %add3A_343 : i32
        %get3A_345 = arith.index_cast %add3A_344 : i32 to index
        %get3A_346 = arith.constant 16 : index
        %get3A_347 = tpu.vector_load %arg7[%get3A_345, %get3A_346] {strides = array<i32>} : memref<1600x32xf32, #tpu.memory_space<vmem>>, vector<1x16xf32>,
        %get3A_348 = vector.shape_cast %get3A_347 : vector<1x16xf32> to vector<16xf32>
        %add3A_349 = arith.addf %scan3A_322, %get3A_348 : vector<16xf32>
        scf.yield %add3A_330, %add3A_335, %add3A_342, %add3A_349 : vector<16xf32>, vector<16xf32>, vector<16xf32>, vector<16xf32>
      }
      %scan3A_94 = arith.constant 100 : i32
      %add3A_95 = arith.addf %scan3A_93#0, %scan3A_93#2 : vector<16xf32>
      %swap3A_96 = arith.constant 96 : index
      %swap3A_97 = tpu.vector_load %arg9[%swap3A_96] {strides = array<i32>} : memref<256xf32, #tpu.memory_space<vmem>>, vector<16xf32>,
      %swap3A_98 = vector.shape_cast %swap3A_97 : vector<16xf32> to vector<16xf32>
      %swap3A_99 = vector.shape_cast %add3A_95 : vector<16xf32> to vector<16xf32>
      tpu.vector_store %arg9[%swap3A_96], %swap3A_99 {strides = array<i32>} : memref<256xf32, #tpu.memory_space<vmem>>, vector<16xf32>,
      %add3A_100 = arith.addf %scan3A_93#1, %scan3A_93#3 : vector<16xf32>
      %swap3A_101 = arith.constant 112 : index
      %swap3A_102 = tpu.vector_load %arg9[%swap3A_101] {strides = array<i32>} : memref<256xf32, #tpu.memory_space<vmem>>, vector<16xf32>,
      %swap3A_103 = vector.shape_cast %swap3A_102 : vector<16xf32> to vector<16xf32>
      %swap3A_104 = vector.shape_cast %add3A_100 : vector<16xf32> to vector<16xf32>
      tpu.vector_store %arg9[%swap3A_101], %swap3A_104 {strides = array<i32>} : memref<256xf32, #tpu.memory_space<vmem>>, vector<16xf32>,
      %scan3A_105 = arith.constant 0 : i32
      %scan3A_106 = arith.constant 100 : i32
      %scan3A_107 = arith.addi %scan3A_105, %scan3A_106 : i32
      %scan3A_108 = arith.constant 1 : i32
      %scan3A_109:4 = scf.for %scan3A_318 = %scan3A_105 to %scan3A_107 step %scan3A_108 iter_args(%scan3A_319 = %broadcast_in_dim3A_5, %scan3A_320 = %broadcast_in_dim3A_5, %scan3A_321 = %broadcast_in_dim3A_5, %scan3A_322 = %broadcast_in_dim3A_5) -> (vector<16xf32>, vector<16xf32>, vector<16xf32>, vector<16xf32>)  : i32 {
        %mul3A_323 = arith.constant 2 : i32
        %mul3A_324 = arith.muli %scan3A_318, %mul3A_323 : i32
        %add3A_325 = arith.constant 800 : i32
        %add3A_326 = arith.addi %add3A_325, %mul3A_324 : i32
        %get3A = arith.index_cast %add3A_326 : i32 to index
        %get3A_327 = arith.constant 0 : index
        %get3A_328 = tpu.vector_load %arg7[%get3A, %get3A_327] {strides = array<i32>} : memref<1600x32xf32, #tpu.memory_space<vmem>>, vector<1x16xf32>,
        %get3A_329 = vector.shape_cast %get3A_328 : vector<1x16xf32> to vector<16xf32>
        %add3A_330 = arith.addf %scan3A_319, %get3A_329 : vector<16xf32>
        %get3A_331 = arith.index_cast %add3A_326 : i32 to index
        %get3A_332 = arith.constant 16 : index
        %get3A_333 = tpu.vector_load %arg7[%get3A_331, %get3A_332] {strides = array<i32>} : memref<1600x32xf32, #tpu.memory_space<vmem>>, vector<1x16xf32>,
        %get3A_334 = vector.shape_cast %get3A_333 : vector<1x16xf32> to vector<16xf32>
        %add3A_335 = arith.addf %scan3A_320, %get3A_334 : vector<16xf32>
        %add3A_336 = arith.constant 1 : i32
        %add3A_337 = arith.addi %add3A_326, %add3A_336 : i32
        %get3A_338 = arith.index_cast %add3A_337 : i32 to index
        %get3A_339 = arith.constant 0 : index
        %get3A_340 = tpu.vector_load %arg7[%get3A_338, %get3A_339] {strides = array<i32>} : memref<1600x32xf32, #tpu.memory_space<vmem>>, vector<1x16xf32>,
        %get3A_341 = vector.shape_cast %get3A_340 : vector<1x16xf32> to vector<16xf32>
        %add3A_342 = arith.addf %scan3A_321, %get3A_341 : vector<16xf32>
        %add3A_343 = arith.constant 1 : i32
        %add3A_344 = arith.addi %add3A_326, %add3A_343 : i32
        %get3A_345 = arith.index_cast %add3A_344 : i32 to index
        %get3A_346 = arith.constant 16 : index
        %get3A_347 = tpu.vector_load %arg7[%get3A_345, %get3A_346] {strides = array<i32>} : memref<1600x32xf32, #tpu.memory_space<vmem>>, vector<1x16xf32>,
        %get3A_348 = vector.shape_cast %get3A_347 : vector<1x16xf32> to vector<16xf32>
        %add3A_349 = arith.addf %scan3A_322, %get3A_348 : vector<16xf32>
        scf.yield %add3A_330, %add3A_335, %add3A_342, %add3A_349 : vector<16xf32>, vector<16xf32>, vector<16xf32>, vector<16xf32>
      }
      %scan3A_110 = arith.constant 100 : i32
      %add3A_111 = arith.addf %scan3A_109#0, %scan3A_109#2 : vector<16xf32>
      %swap3A_112 = arith.constant 128 : index
      %swap3A_113 = tpu.vector_load %arg9[%swap3A_112] {strides = array<i32>} : memref<256xf32, #tpu.memory_space<vmem>>, vector<16xf32>,
      %swap3A_114 = vector.shape_cast %swap3A_113 : vector<16xf32> to vector<16xf32>
      %swap3A_115 = vector.shape_cast %add3A_111 : vector<16xf32> to vector<16xf32>
      tpu.vector_store %arg9[%swap3A_112], %swap3A_115 {strides = array<i32>} : memref<256xf32, #tpu.memory_space<vmem>>, vector<16xf32>,
      %add3A_116 = arith.addf %scan3A_109#1, %scan3A_109#3 : vector<16xf32>
      %swap3A_117 = arith.constant 144 : index
      %swap3A_118 = tpu.vector_load %arg9[%swap3A_117] {strides = array<i32>} : memref<256xf32, #tpu.memory_space<vmem>>, vector<16xf32>,
      %swap3A_119 = vector.shape_cast %swap3A_118 : vector<16xf32> to vector<16xf32>
      %swap3A_120 = vector.shape_cast %add3A_116 : vector<16xf32> to vector<16xf32>
      tpu.vector_store %arg9[%swap3A_117], %swap3A_120 {strides = array<i32>} : memref<256xf32, #tpu.memory_space<vmem>>, vector<16xf32>,
      %scan3A_121 = arith.constant 0 : i32
      %scan3A_122 = arith.constant 100 : i32
      %scan3A_123 = arith.addi %scan3A_121, %scan3A_122 : i32
      %scan3A_124 = arith.constant 1 : i32
      %scan3A_125:4 = scf.for %scan3A_318 = %scan3A_121 to %scan3A_123 step %scan3A_124 iter_args(%scan3A_319 = %broadcast_in_dim3A_5, %scan3A_320 = %broadcast_in_dim3A_5, %scan3A_321 = %broadcast_in_dim3A_5, %scan3A_322 = %broadcast_in_dim3A_5) -> (vector<16xf32>, vector<16xf32>, vector<16xf32>, vector<16xf32>)  : i32 {
        %mul3A_323 = arith.constant 2 : i32
        %mul3A_324 = arith.muli %scan3A_318, %mul3A_323 : i32
        %add3A_325 = arith.constant 1000 : i32
        %add3A_326 = arith.addi %add3A_325, %mul3A_324 : i32
        %get3A = arith.index_cast %add3A_326 : i32 to index
        %get3A_327 = arith.constant 0 : index
        %get3A_328 = tpu.vector_load %arg7[%get3A, %get3A_327] {strides = array<i32>} : memref<1600x32xf32, #tpu.memory_space<vmem>>, vector<1x16xf32>,
        %get3A_329 = vector.shape_cast %get3A_328 : vector<1x16xf32> to vector<16xf32>
        %add3A_330 = arith.addf %scan3A_319, %get3A_329 : vector<16xf32>
        %get3A_331 = arith.index_cast %add3A_326 : i32 to index
        %get3A_332 = arith.constant 16 : index
        %get3A_333 = tpu.vector_load %arg7[%get3A_331, %get3A_332] {strides = array<i32>} : memref<1600x32xf32, #tpu.memory_space<vmem>>, vector<1x16xf32>,
        %get3A_334 = vector.shape_cast %get3A_333 : vector<1x16xf32> to vector<16xf32>
        %add3A_335 = arith.addf %scan3A_320, %get3A_334 : vector<16xf32>
        %add3A_336 = arith.constant 1 : i32
        %add3A_337 = arith.addi %add3A_326, %add3A_336 : i32
        %get3A_338 = arith.index_cast %add3A_337 : i32 to index
        %get3A_339 = arith.constant 0 : index
        %get3A_340 = tpu.vector_load %arg7[%get3A_338, %get3A_339] {strides = array<i32>} : memref<1600x32xf32, #tpu.memory_space<vmem>>, vector<1x16xf32>,
        %get3A_341 = vector.shape_cast %get3A_340 : vector<1x16xf32> to vector<16xf32>
        %add3A_342 = arith.addf %scan3A_321, %get3A_341 : vector<16xf32>
        %add3A_343 = arith.constant 1 : i32
        %add3A_344 = arith.addi %add3A_326, %add3A_343 : i32
        %get3A_345 = arith.index_cast %add3A_344 : i32 to index
        %get3A_346 = arith.constant 16 : index
        %get3A_347 = tpu.vector_load %arg7[%get3A_345, %get3A_346] {strides = array<i32>} : memref<1600x32xf32, #tpu.memory_space<vmem>>, vector<1x16xf32>,
        %get3A_348 = vector.shape_cast %get3A_347 : vector<1x16xf32> to vector<16xf32>
        %add3A_349 = arith.addf %scan3A_322, %get3A_348 : vector<16xf32>
        scf.yield %add3A_330, %add3A_335, %add3A_342, %add3A_349 : vector<16xf32>, vector<16xf32>, vector<16xf32>, vector<16xf32>
      }
      %scan3A_126 = arith.constant 100 : i32
      %add3A_127 = arith.addf %scan3A_125#0, %scan3A_125#2 : vector<16xf32>
      %swap3A_128 = arith.constant 160 : index
      %swap3A_129 = tpu.vector_load %arg9[%swap3A_128] {strides = array<i32>} : memref<256xf32, #tpu.memory_space<vmem>>, vector<16xf32>,
      %swap3A_130 = vector.shape_cast %swap3A_129 : vector<16xf32> to vector<16xf32>
      %swap3A_131 = vector.shape_cast %add3A_127 : vector<16xf32> to vector<16xf32>
      tpu.vector_store %arg9[%swap3A_128], %swap3A_131 {strides = array<i32>} : memref<256xf32, #tpu.memory_space<vmem>>, vector<16xf32>,
      %add3A_132 = arith.addf %scan3A_125#1, %scan3A_125#3 : vector<16xf32>
      %swap3A_133 = arith.constant 176 : index
      %swap3A_134 = tpu.vector_load %arg9[%swap3A_133] {strides = array<i32>} : memref<256xf32, #tpu.memory_space<vmem>>, vector<16xf32>,
      %swap3A_135 = vector.shape_cast %swap3A_134 : vector<16xf32> to vector<16xf32>
      %swap3A_136 = vector.shape_cast %add3A_132 : vector<16xf32> to vector<16xf32>
      tpu.vector_store %arg9[%swap3A_133], %swap3A_136 {strides = array<i32>} : memref<256xf32, #tpu.memory_space<vmem>>, vector<16xf32>,
      %scan3A_137 = arith.constant 0 : i32
      %scan3A_138 = arith.constant 100 : i32
      %scan3A_139 = arith.addi %scan3A_137, %scan3A_138 : i32
      %scan3A_140 = arith.constant 1 : i32
      %scan3A_141:4 = scf.for %scan3A_318 = %scan3A_137 to %scan3A_139 step %scan3A_140 iter_args(%scan3A_319 = %broadcast_in_dim3A_5, %scan3A_320 = %broadcast_in_dim3A_5, %scan3A_321 = %broadcast_in_dim3A_5, %scan3A_322 = %broadcast_in_dim3A_5) -> (vector<16xf32>, vector<16xf32>, vector<16xf32>, vector<16xf32>)  : i32 {
        %mul3A_323 = arith.constant 2 : i32
        %mul3A_324 = arith.muli %scan3A_318, %mul3A_323 : i32
        %add3A_325 = arith.constant 1200 : i32
        %add3A_326 = arith.addi %add3A_325, %mul3A_324 : i32
        %get3A = arith.index_cast %add3A_326 : i32 to index
        %get3A_327 = arith.constant 0 : index
        %get3A_328 = tpu.vector_load %arg7[%get3A, %get3A_327] {strides = array<i32>} : memref<1600x32xf32, #tpu.memory_space<vmem>>, vector<1x16xf32>,
        %get3A_329 = vector.shape_cast %get3A_328 : vector<1x16xf32> to vector<16xf32>
        %add3A_330 = arith.addf %scan3A_319, %get3A_329 : vector<16xf32>
        %get3A_331 = arith.index_cast %add3A_326 : i32 to index
        %get3A_332 = arith.constant 16 : index
        %get3A_333 = tpu.vector_load %arg7[%get3A_331, %get3A_332] {strides = array<i32>} : memref<1600x32xf32, #tpu.memory_space<vmem>>, vector<1x16xf32>,
        %get3A_334 = vector.shape_cast %get3A_333 : vector<1x16xf32> to vector<16xf32>
        %add3A_335 = arith.addf %scan3A_320, %get3A_334 : vector<16xf32>
        %add3A_336 = arith.constant 1 : i32
        %add3A_337 = arith.addi %add3A_326, %add3A_336 : i32
        %get3A_338 = arith.index_cast %add3A_337 : i32 to index
        %get3A_339 = arith.constant 0 : index
        %get3A_340 = tpu.vector_load %arg7[%get3A_338, %get3A_339] {strides = array<i32>} : memref<1600x32xf32, #tpu.memory_space<vmem>>, vector<1x16xf32>,
        %get3A_341 = vector.shape_cast %get3A_340 : vector<1x16xf32> to vector<16xf32>
        %add3A_342 = arith.addf %scan3A_321, %get3A_341 : vector<16xf32>
        %add3A_343 = arith.constant 1 : i32
        %add3A_344 = arith.addi %add3A_326, %add3A_343 : i32
        %get3A_345 = arith.index_cast %add3A_344 : i32 to index
        %get3A_346 = arith.constant 16 : index
        %get3A_347 = tpu.vector_load %arg7[%get3A_345, %get3A_346] {strides = array<i32>} : memref<1600x32xf32, #tpu.memory_space<vmem>>, vector<1x16xf32>,
        %get3A_348 = vector.shape_cast %get3A_347 : vector<1x16xf32> to vector<16xf32>
        %add3A_349 = arith.addf %scan3A_322, %get3A_348 : vector<16xf32>
        scf.yield %add3A_330, %add3A_335, %add3A_342, %add3A_349 : vector<16xf32>, vector<16xf32>, vector<16xf32>, vector<16xf32>
      }
      %scan3A_142 = arith.constant 100 : i32
      %add3A_143 = arith.addf %scan3A_141#0, %scan3A_141#2 : vector<16xf32>
      %swap3A_144 = arith.constant 192 : index
      %swap3A_145 = tpu.vector_load %arg9[%swap3A_144] {strides = array<i32>} : memref<256xf32, #tpu.memory_space<vmem>>, vector<16xf32>,
      %swap3A_146 = vector.shape_cast %swap3A_145 : vector<16xf32> to vector<16xf32>
      %swap3A_147 = vector.shape_cast %add3A_143 : vector<16xf32> to vector<16xf32>
      tpu.vector_store %arg9[%swap3A_144], %swap3A_147 {strides = array<i32>} : memref<256xf32, #tpu.memory_space<vmem>>, vector<16xf32>,
      %add3A_148 = arith.addf %scan3A_141#1, %scan3A_141#3 : vector<16xf32>
      %swap3A_149 = arith.constant 208 : index
      %swap3A_150 = tpu.vector_load %arg9[%swap3A_149] {strides = array<i32>} : memref<256xf32, #tpu.memory_space<vmem>>, vector<16xf32>,
      %swap3A_151 = vector.shape_cast %swap3A_150 : vector<16xf32> to vector<16xf32>
      %swap3A_152 = vector.shape_cast %add3A_148 : vector<16xf32> to vector<16xf32>
      tpu.vector_store %arg9[%swap3A_149], %swap3A_152 {strides = array<i32>} : memref<256xf32, #tpu.memory_space<vmem>>, vector<16xf32>,
      %scan3A_153 = arith.constant 0 : i32
      %scan3A_154 = arith.constant 100 : i32
      %scan3A_155 = arith.addi %scan3A_153, %scan3A_154 : i32
      %scan3A_156 = arith.constant 1 : i32
      %scan3A_157:4 = scf.for %scan3A_318 = %scan3A_153 to %scan3A_155 step %scan3A_156 iter_args(%scan3A_319 = %broadcast_in_dim3A_5, %scan3A_320 = %broadcast_in_dim3A_5, %scan3A_321 = %broadcast_in_dim3A_5, %scan3A_322 = %broadcast_in_dim3A_5) -> (vector<16xf32>, vector<16xf32>, vector<16xf32>, vector<16xf32>)  : i32 {
        %mul3A_323 = arith.constant 2 : i32
        %mul3A_324 = arith.muli %scan3A_318, %mul3A_323 : i32
        %add3A_325 = arith.constant 1400 : i32
        %add3A_326 = arith.addi %add3A_325, %mul3A_324 : i32
        %get3A = arith.index_cast %add3A_326 : i32 to index
        %get3A_327 = arith.constant 0 : index
        %get3A_328 = tpu.vector_load %arg7[%get3A, %get3A_327] {strides = array<i32>} : memref<1600x32xf32, #tpu.memory_space<vmem>>, vector<1x16xf32>,
        %get3A_329 = vector.shape_cast %get3A_328 : vector<1x16xf32> to vector<16xf32>
        %add3A_330 = arith.addf %scan3A_319, %get3A_329 : vector<16xf32>
        %get3A_331 = arith.index_cast %add3A_326 : i32 to index
        %get3A_332 = arith.constant 16 : index
        %get3A_333 = tpu.vector_load %arg7[%get3A_331, %get3A_332] {strides = array<i32>} : memref<1600x32xf32, #tpu.memory_space<vmem>>, vector<1x16xf32>,
        %get3A_334 = vector.shape_cast %get3A_333 : vector<1x16xf32> to vector<16xf32>
        %add3A_335 = arith.addf %scan3A_320, %get3A_334 : vector<16xf32>
        %add3A_336 = arith.constant 1 : i32
        %add3A_337 = arith.addi %add3A_326, %add3A_336 : i32
        %get3A_338 = arith.index_cast %add3A_337 : i32 to index
        %get3A_339 = arith.constant 0 : index
        %get3A_340 = tpu.vector_load %arg7[%get3A_338, %get3A_339] {strides = array<i32>} : memref<1600x32xf32, #tpu.memory_space<vmem>>, vector<1x16xf32>,
        %get3A_341 = vector.shape_cast %get3A_340 : vector<1x16xf32> to vector<16xf32>
        %add3A_342 = arith.addf %scan3A_321, %get3A_341 : vector<16xf32>
        %add3A_343 = arith.constant 1 : i32
        %add3A_344 = arith.addi %add3A_326, %add3A_343 : i32
        %get3A_345 = arith.index_cast %add3A_344 : i32 to index
        %get3A_346 = arith.constant 16 : index
        %get3A_347 = tpu.vector_load %arg7[%get3A_345, %get3A_346] {strides = array<i32>} : memref<1600x32xf32, #tpu.memory_space<vmem>>, vector<1x16xf32>,
        %get3A_348 = vector.shape_cast %get3A_347 : vector<1x16xf32> to vector<16xf32>
        %add3A_349 = arith.addf %scan3A_322, %get3A_348 : vector<16xf32>
        scf.yield %add3A_330, %add3A_335, %add3A_342, %add3A_349 : vector<16xf32>, vector<16xf32>, vector<16xf32>, vector<16xf32>
      }
      %scan3A_158 = arith.constant 100 : i32
      %add3A_159 = arith.addf %scan3A_157#0, %scan3A_157#2 : vector<16xf32>
      %swap3A_160 = arith.constant 224 : index
      %swap3A_161 = tpu.vector_load %arg9[%swap3A_160] {strides = array<i32>} : memref<256xf32, #tpu.memory_space<vmem>>, vector<16xf32>,
      %swap3A_162 = vector.shape_cast %swap3A_161 : vector<16xf32> to vector<16xf32>
      %swap3A_163 = vector.shape_cast %add3A_159 : vector<16xf32> to vector<16xf32>
      tpu.vector_store %arg9[%swap3A_160], %swap3A_163 {strides = array<i32>} : memref<256xf32, #tpu.memory_space<vmem>>, vector<16xf32>,
      %add3A_164 = arith.addf %scan3A_157#1, %scan3A_157#3 : vector<16xf32>
      %swap3A_165 = arith.constant 240 : index
      %swap3A_166 = tpu.vector_load %arg9[%swap3A_165] {strides = array<i32>} : memref<256xf32, #tpu.memory_space<vmem>>, vector<16xf32>,
      %swap3A_167 = vector.shape_cast %swap3A_166 : vector<16xf32> to vector<16xf32>
      %swap3A_168 = vector.shape_cast %add3A_164 : vector<16xf32> to vector<16xf32>
      tpu.vector_store %arg9[%swap3A_165], %swap3A_168 {strides = array<i32>} : memref<256xf32, #tpu.memory_space<vmem>>, vector<16xf32>,
      %mul3A_169 = arith.constant 512 : i32
      %mul3A_170 = arith.muli %add3A, %mul3A_169 : i32
      %mul3A_171 = arith.constant 8 : i32
      %mul3A_172 = arith.muli %mul3A_24, %mul3A_171 : i32
      %add3A_173 = arith.addi %mul3A_170, %mul3A_172 : i32
      %mul3A_174 = arith.constant 32 : i32
      %mul3A_175 = arith.muli %add3A_173, %mul3A_174 : i32
      "tpu.region"() ({
        %run_scoped3A = tpu.sem_alloc : memref<!tpu.dma_semaphore, #tpu.memory_space<semaphore_mem>>
        %dma_start3A_318 = tpu.memref_slice %arg4[%mul3A_175] : memref<524288xf32, #tpu.memory_space<hbm>> -> memref<256xf32, #tpu.memory_space<hbm>>
        %dma_start3A_319 = tpu.memref_slice %arg4[%mul3A_175] : memref<524288xf32, #tpu.memory_space<hbm>> -> memref<256xf32, #tpu.memory_space<hbm>>
        tpu.enqueue_dma source(%arg9 : memref<256xf32, #tpu.memory_space<vmem>>) target(%dma_start3A_319 : memref<256xf32, #tpu.memory_space<hbm>>) target_semaphore(%run_scoped3A : memref<!tpu.dma_semaphore, #tpu.memory_space<semaphore_mem>>)
        %dma_wait3A_320 = tpu.memref_slice %arg4[%mul3A_175] : memref<524288xf32, #tpu.memory_space<hbm>> -> memref<256xf32, #tpu.memory_space<hbm>>
        %dma_wait3A_321 = tpu.memref_slice %arg4[%mul3A_175] : memref<524288xf32, #tpu.memory_space<hbm>> -> memref<256xf32, #tpu.memory_space<hbm>>
        tpu.wait_dma2 semaphore(%run_scoped3A : memref<!tpu.dma_semaphore, #tpu.memory_space<semaphore_mem>>) src(%arg9 : memref<256xf32, #tpu.memory_space<vmem>>) dst(%dma_wait3A_321 : memref<256xf32, #tpu.memory_space<hbm>>)
        tpu.yield
      }) : () -> ()
      %lt3A = arith.constant 31 : i32
      %lt3A_176 = arith.cmpi slt, %scan3A_22, %lt3A : i32
      %convert_element_type3A = arith.extui %lt3A_176 : i1 to i32
      %cond3A = arith.constant 0 : i32
      %cond3A_177 = arith.cmpi ne, %convert_element_type3A, %cond3A : i32
      scf.if %cond3A_177 {
        %add3A_318 = arith.constant 2 : i32
        %add3A_319 = arith.addi %mul3A_24, %add3A_318 : i32
        %mul3A_320 = arith.constant 1600 : i32
        %mul3A_321 = arith.muli %add3A_319, %mul3A_320 : i32
        %add3A_322 = arith.addi %mul3A_4, %mul3A_321 : i32
        "tpu.region"() ({
          %run_scoped3A = tpu.sem_alloc : memref<!tpu.dma_semaphore, #tpu.memory_space<semaphore_mem>>
          %dma_start3A_333 = tpu.memref_slice %arg2[%add3A_322] : memref<3276800xi32, #tpu.memory_space<hbm>> -> memref<1600xi32, #tpu.memory_space<hbm>>
          %dma_start3A_334 = tpu.memref_slice %arg2[%add3A_322] : memref<3276800xi32, #tpu.memory_space<hbm>> -> memref<1600xi32, #tpu.memory_space<hbm>>
          tpu.enqueue_dma source(%dma_start3A_334 : memref<1600xi32, #tpu.memory_space<hbm>>) target(%arg5 : memref<1600xi32, #tpu.memory_space<vmem>>) target_semaphore(%run_scoped3A : memref<!tpu.dma_semaphore, #tpu.memory_space<semaphore_mem>>)
          %dma_wait3A_335 = tpu.memref_slice %arg2[%add3A_322] : memref<3276800xi32, #tpu.memory_space<hbm>> -> memref<1600xi32, #tpu.memory_space<hbm>>
          %dma_wait3A_336 = tpu.memref_slice %arg2[%add3A_322] : memref<3276800xi32, #tpu.memory_space<hbm>> -> memref<1600xi32, #tpu.memory_space<hbm>>
          tpu.wait_dma2 semaphore(%run_scoped3A : memref<!tpu.dma_semaphore, #tpu.memory_space<semaphore_mem>>) src(%dma_wait3A_336 : memref<1600xi32, #tpu.memory_space<hbm>>) dst(%arg5 : memref<1600xi32, #tpu.memory_space<vmem>>)
          tpu.yield
        }) : () -> ()
        %scan3A_323 = arith.constant 0 : i32
        %scan3A_324 = arith.constant 0 : i32
        %scan3A_325 = arith.constant 400 : i32
        %scan3A_326 = arith.addi %scan3A_324, %scan3A_325 : i32
        %scan3A_327 = arith.constant 1 : i32
        scf.for %scan3A_333 = %scan3A_324 to %scan3A_326 step %scan3A_327  : i32 {
          %mul3A_334 = arith.constant 4 : i32
          %mul3A_335 = arith.muli %scan3A_333, %mul3A_334 : i32
          %add3A_336 = arith.constant 0 : i32
          %add3A_337 = arith.addi %mul3A_335, %add3A_336 : i32
          %swap3A_338 = arith.index_cast %add3A_337 : i32 to index
          %swap3A_339 = arith.constant 0 : index
          %swap3A_340 = tpu.vector_load %arg7[%swap3A_338, %swap3A_339] {strides = array<i32>} : memref<1600x32xf32, #tpu.memory_space<vmem>>, vector<1x16xf32>,
          %swap3A_341 = vector.shape_cast %swap3A_340 : vector<1x16xf32> to vector<16xf32>
          %swap3A_342 = vector.shape_cast %broadcast_in_dim3A_5 : vector<16xf32> to vector<1x16xf32>
          tpu.vector_store %arg7[%swap3A_338, %swap3A_339], %swap3A_342 {strides = array<i32>} : memref<1600x32xf32, #tpu.memory_space<vmem>>, vector<1x16xf32>,
          %add3A_343 = arith.constant 0 : i32
          %add3A_344 = arith.addi %mul3A_335, %add3A_343 : i32
          %swap3A_345 = arith.index_cast %add3A_344 : i32 to index
          %swap3A_346 = arith.constant 16 : index
          %swap3A_347 = tpu.vector_load %arg7[%swap3A_345, %swap3A_346] {strides = array<i32>} : memref<1600x32xf32, #tpu.memory_space<vmem>>, vector<1x16xf32>,
          %swap3A_348 = vector.shape_cast %swap3A_347 : vector<1x16xf32> to vector<16xf32>
          %swap3A_349 = vector.shape_cast %broadcast_in_dim3A_5 : vector<16xf32> to vector<1x16xf32>
          tpu.vector_store %arg7[%swap3A_345, %swap3A_346], %swap3A_349 {strides = array<i32>} : memref<1600x32xf32, #tpu.memory_space<vmem>>, vector<1x16xf32>,
          %add3A_350 = arith.constant 1 : i32
          %add3A_351 = arith.addi %mul3A_335, %add3A_350 : i32
          %swap3A_352 = arith.index_cast %add3A_351 : i32 to index
          %swap3A_353 = arith.constant 0 : index
          %swap3A_354 = tpu.vector_load %arg7[%swap3A_352, %swap3A_353] {strides = array<i32>} : memref<1600x32xf32, #tpu.memory_space<vmem>>, vector<1x16xf32>,
          %swap3A_355 = vector.shape_cast %swap3A_354 : vector<1x16xf32> to vector<16xf32>
          %swap3A_356 = vector.shape_cast %broadcast_in_dim3A_5 : vector<16xf32> to vector<1x16xf32>
          tpu.vector_store %arg7[%swap3A_352, %swap3A_353], %swap3A_356 {strides = array<i32>} : memref<1600x32xf32, #tpu.memory_space<vmem>>, vector<1x16xf32>,
          %add3A_357 = arith.constant 1 : i32
          %add3A_358 = arith.addi %mul3A_335, %add3A_357 : i32
          %swap3A_359 = arith.index_cast %add3A_358 : i32 to index
          %swap3A_360 = arith.constant 16 : index
          %swap3A_361 = tpu.vector_load %arg7[%swap3A_359, %swap3A_360] {strides = array<i32>} : memref<1600x32xf32, #tpu.memory_space<vmem>>, vector<1x16xf32>,
          %swap3A_362 = vector.shape_cast %swap3A_361 : vector<1x16xf32> to vector<16xf32>
          %swap3A_363 = vector.shape_cast %broadcast_in_dim3A_5 : vector<16xf32> to vector<1x16xf32>
          tpu.vector_store %arg7[%swap3A_359, %swap3A_360], %swap3A_363 {strides = array<i32>} : memref<1600x32xf32, #tpu.memory_space<vmem>>, vector<1x16xf32>,
          %add3A_364 = arith.constant 2 : i32
          %add3A_365 = arith.addi %mul3A_335, %add3A_364 : i32
          %swap3A_366 = arith.index_cast %add3A_365 : i32 to index
          %swap3A_367 = arith.constant 0 : index
          %swap3A_368 = tpu.vector_load %arg7[%swap3A_366, %swap3A_367] {strides = array<i32>} : memref<1600x32xf32, #tpu.memory_space<vmem>>, vector<1x16xf32>,
          %swap3A_369 = vector.shape_cast %swap3A_368 : vector<1x16xf32> to vector<16xf32>
          %swap3A_370 = vector.shape_cast %broadcast_in_dim3A_5 : vector<16xf32> to vector<1x16xf32>
          tpu.vector_store %arg7[%swap3A_366, %swap3A_367], %swap3A_370 {strides = array<i32>} : memref<1600x32xf32, #tpu.memory_space<vmem>>, vector<1x16xf32>,
          %add3A_371 = arith.constant 2 : i32
          %add3A_372 = arith.addi %mul3A_335, %add3A_371 : i32
          %swap3A_373 = arith.index_cast %add3A_372 : i32 to index
          %swap3A_374 = arith.constant 16 : index
          %swap3A_375 = tpu.vector_load %arg7[%swap3A_373, %swap3A_374] {strides = array<i32>} : memref<1600x32xf32, #tpu.memory_space<vmem>>, vector<1x16xf32>,
          %swap3A_376 = vector.shape_cast %swap3A_375 : vector<1x16xf32> to vector<16xf32>
          %swap3A_377 = vector.shape_cast %broadcast_in_dim3A_5 : vector<16xf32> to vector<1x16xf32>
          tpu.vector_store %arg7[%swap3A_373, %swap3A_374], %swap3A_377 {strides = array<i32>} : memref<1600x32xf32, #tpu.memory_space<vmem>>, vector<1x16xf32>,
          %add3A_378 = arith.constant 3 : i32
          %add3A_379 = arith.addi %mul3A_335, %add3A_378 : i32
          %swap3A_380 = arith.index_cast %add3A_379 : i32 to index
          %swap3A_381 = arith.constant 0 : index
          %swap3A_382 = tpu.vector_load %arg7[%swap3A_380, %swap3A_381] {strides = array<i32>} : memref<1600x32xf32, #tpu.memory_space<vmem>>, vector<1x16xf32>,
          %swap3A_383 = vector.shape_cast %swap3A_382 : vector<1x16xf32> to vector<16xf32>
          %swap3A_384 = vector.shape_cast %broadcast_in_dim3A_5 : vector<16xf32> to vector<1x16xf32>
          tpu.vector_store %arg7[%swap3A_380, %swap3A_381], %swap3A_384 {strides = array<i32>} : memref<1600x32xf32, #tpu.memory_space<vmem>>, vector<1x16xf32>,
          %add3A_385 = arith.constant 3 : i32
          %add3A_386 = arith.addi %mul3A_335, %add3A_385 : i32
          %swap3A_387 = arith.index_cast %add3A_386 : i32 to index
          %swap3A_388 = arith.constant 16 : index
          %swap3A_389 = tpu.vector_load %arg7[%swap3A_387, %swap3A_388] {strides = array<i32>} : memref<1600x32xf32, #tpu.memory_space<vmem>>, vector<1x16xf32>,
          %swap3A_390 = vector.shape_cast %swap3A_389 : vector<1x16xf32> to vector<16xf32>
          %swap3A_391 = vector.shape_cast %broadcast_in_dim3A_5 : vector<16xf32> to vector<1x16xf32>
          tpu.vector_store %arg7[%swap3A_387, %swap3A_388], %swap3A_391 {strides = array<i32>} : memref<1600x32xf32, #tpu.memory_space<vmem>>, vector<1x16xf32>,
        }
        %scan3A_328 = arith.constant 400 : i32
        %dma_start3A_329 = arith.constant 0 : i32
        %dma_start3A_330 = arith.constant 0 : i32
        %dma_start3A_331 = tpu.memref_slice %arg3[%dma_start3A_329, %dma_start3A_330] : memref<1000000x32xf32, #tpu.memory_space<hbm>> -> memref<1000000x32xf32, #tpu.memory_space<hbm>>
        %dma_start3A_332 = arith.constant 2147483647 : i32
        tpu.enqueue_indirect_dma source(%dma_start3A_331 : memref<1000000x32xf32, #tpu.memory_space<hbm>>) target(%arg7 : memref<1600x32xf32, #tpu.memory_space<vmem>>) offsets(%arg5 : memref<1600xi32, #tpu.memory_space<vmem>>) offset_filter(%dma_start3A_332) semaphore(%arg10 : memref<!tpu.dma_semaphore, #tpu.memory_space<semaphore_mem>>)
      } else {
      }
      %add3A_178 = arith.constant 1 : i32
      %add3A_179 = arith.addi %mul3A_24, %add3A_178 : i32
      %dma_wait3A_180 = arith.constant 0 : i32
      %dma_wait3A_181 = arith.constant 0 : i32
      %dma_wait3A_182 = tpu.memref_slice %arg3[%dma_wait3A_180, %dma_wait3A_181] : memref<1000000x32xf32, #tpu.memory_space<hbm>> -> memref<1000000x32xf32, #tpu.memory_space<hbm>>
      tpu.wait_indirect_dma semaphore(%arg11 : memref<!tpu.dma_semaphore, #tpu.memory_space<semaphore_mem>>) src(%dma_wait3A_182 : memref<1000000x32xf32, #tpu.memory_space<hbm>>) dst(%arg8 : memref<1600x32xf32, #tpu.memory_space<vmem>>)
      %scan3A_183 = arith.constant 0 : i32
      %scan3A_184 = arith.constant 100 : i32
      %scan3A_185 = arith.addi %scan3A_183, %scan3A_184 : i32
      %scan3A_186 = arith.constant 1 : i32
      %scan3A_187:4 = scf.for %scan3A_318 = %scan3A_183 to %scan3A_185 step %scan3A_186 iter_args(%scan3A_319 = %broadcast_in_dim3A_5, %scan3A_320 = %broadcast_in_dim3A_5, %scan3A_321 = %broadcast_in_dim3A_5, %scan3A_322 = %broadcast_in_dim3A_5) -> (vector<16xf32>, vector<16xf32>, vector<16xf32>, vector<16xf32>)  : i32 {
        %mul3A_323 = arith.constant 2 : i32
        %mul3A_324 = arith.muli %scan3A_318, %mul3A_323 : i32
        %add3A_325 = arith.constant 0 : i32
        %add3A_326 = arith.addi %add3A_325, %mul3A_324 : i32
        %get3A = arith.index_cast %add3A_326 : i32 to index
        %get3A_327 = arith.constant 0 : index
        %get3A_328 = tpu.vector_load %arg8[%get3A, %get3A_327] {strides = array<i32>} : memref<1600x32xf32, #tpu.memory_space<vmem>>, vector<1x16xf32>,
        %get3A_329 = vector.shape_cast %get3A_328 : vector<1x16xf32> to vector<16xf32>
        %add3A_330 = arith.addf %scan3A_319, %get3A_329 : vector<16xf32>
        %get3A_331 = arith.index_cast %add3A_326 : i32 to index
        %get3A_332 = arith.constant 16 : index
        %get3A_333 = tpu.vector_load %arg8[%get3A_331, %get3A_332] {strides = array<i32>} : memref<1600x32xf32, #tpu.memory_space<vmem>>, vector<1x16xf32>,
        %get3A_334 = vector.shape_cast %get3A_333 : vector<1x16xf32> to vector<16xf32>
        %add3A_335 = arith.addf %scan3A_320, %get3A_334 : vector<16xf32>
        %add3A_336 = arith.constant 1 : i32
        %add3A_337 = arith.addi %add3A_326, %add3A_336 : i32
        %get3A_338 = arith.index_cast %add3A_337 : i32 to index
        %get3A_339 = arith.constant 0 : index
        %get3A_340 = tpu.vector_load %arg8[%get3A_338, %get3A_339] {strides = array<i32>} : memref<1600x32xf32, #tpu.memory_space<vmem>>, vector<1x16xf32>,
        %get3A_341 = vector.shape_cast %get3A_340 : vector<1x16xf32> to vector<16xf32>
        %add3A_342 = arith.addf %scan3A_321, %get3A_341 : vector<16xf32>
        %add3A_343 = arith.constant 1 : i32
        %add3A_344 = arith.addi %add3A_326, %add3A_343 : i32
        %get3A_345 = arith.index_cast %add3A_344 : i32 to index
        %get3A_346 = arith.constant 16 : index
        %get3A_347 = tpu.vector_load %arg8[%get3A_345, %get3A_346] {strides = array<i32>} : memref<1600x32xf32, #tpu.memory_space<vmem>>, vector<1x16xf32>,
        %get3A_348 = vector.shape_cast %get3A_347 : vector<1x16xf32> to vector<16xf32>
        %add3A_349 = arith.addf %scan3A_322, %get3A_348 : vector<16xf32>
        scf.yield %add3A_330, %add3A_335, %add3A_342, %add3A_349 : vector<16xf32>, vector<16xf32>, vector<16xf32>, vector<16xf32>
      }
      %scan3A_188 = arith.constant 100 : i32
      %add3A_189 = arith.addf %scan3A_187#0, %scan3A_187#2 : vector<16xf32>
      %swap3A_190 = arith.constant 0 : index
      %swap3A_191 = tpu.vector_load %arg9[%swap3A_190] {strides = array<i32>} : memref<256xf32, #tpu.memory_space<vmem>>, vector<16xf32>,
      %swap3A_192 = vector.shape_cast %swap3A_191 : vector<16xf32> to vector<16xf32>
      %swap3A_193 = vector.shape_cast %add3A_189 : vector<16xf32> to vector<16xf32>
      tpu.vector_store %arg9[%swap3A_190], %swap3A_193 {strides = array<i32>} : memref<256xf32, #tpu.memory_space<vmem>>, vector<16xf32>,
      %add3A_194 = arith.addf %scan3A_187#1, %scan3A_187#3 : vector<16xf32>
      %swap3A_195 = arith.constant 16 : index
      %swap3A_196 = tpu.vector_load %arg9[%swap3A_195] {strides = array<i32>} : memref<256xf32, #tpu.memory_space<vmem>>, vector<16xf32>,
      %swap3A_197 = vector.shape_cast %swap3A_196 : vector<16xf32> to vector<16xf32>
      %swap3A_198 = vector.shape_cast %add3A_194 : vector<16xf32> to vector<16xf32>
      tpu.vector_store %arg9[%swap3A_195], %swap3A_198 {strides = array<i32>} : memref<256xf32, #tpu.memory_space<vmem>>, vector<16xf32>,
      %scan3A_199 = arith.constant 0 : i32
      %scan3A_200 = arith.constant 100 : i32
      %scan3A_201 = arith.addi %scan3A_199, %scan3A_200 : i32
      %scan3A_202 = arith.constant 1 : i32
      %scan3A_203:4 = scf.for %scan3A_318 = %scan3A_199 to %scan3A_201 step %scan3A_202 iter_args(%scan3A_319 = %broadcast_in_dim3A_5, %scan3A_320 = %broadcast_in_dim3A_5, %scan3A_321 = %broadcast_in_dim3A_5, %scan3A_322 = %broadcast_in_dim3A_5) -> (vector<16xf32>, vector<16xf32>, vector<16xf32>, vector<16xf32>)  : i32 {
        %mul3A_323 = arith.constant 2 : i32
        %mul3A_324 = arith.muli %scan3A_318, %mul3A_323 : i32
        %add3A_325 = arith.constant 200 : i32
        %add3A_326 = arith.addi %add3A_325, %mul3A_324 : i32
        %get3A = arith.index_cast %add3A_326 : i32 to index
        %get3A_327 = arith.constant 0 : index
        %get3A_328 = tpu.vector_load %arg8[%get3A, %get3A_327] {strides = array<i32>} : memref<1600x32xf32, #tpu.memory_space<vmem>>, vector<1x16xf32>,
        %get3A_329 = vector.shape_cast %get3A_328 : vector<1x16xf32> to vector<16xf32>
        %add3A_330 = arith.addf %scan3A_319, %get3A_329 : vector<16xf32>
        %get3A_331 = arith.index_cast %add3A_326 : i32 to index
        %get3A_332 = arith.constant 16 : index
        %get3A_333 = tpu.vector_load %arg8[%get3A_331, %get3A_332] {strides = array<i32>} : memref<1600x32xf32, #tpu.memory_space<vmem>>, vector<1x16xf32>,
        %get3A_334 = vector.shape_cast %get3A_333 : vector<1x16xf32> to vector<16xf32>
        %add3A_335 = arith.addf %scan3A_320, %get3A_334 : vector<16xf32>
        %add3A_336 = arith.constant 1 : i32
        %add3A_337 = arith.addi %add3A_326, %add3A_336 : i32
        %get3A_338 = arith.index_cast %add3A_337 : i32 to index
        %get3A_339 = arith.constant 0 : index
        %get3A_340 = tpu.vector_load %arg8[%get3A_338, %get3A_339] {strides = array<i32>} : memref<1600x32xf32, #tpu.memory_space<vmem>>, vector<1x16xf32>,
        %get3A_341 = vector.shape_cast %get3A_340 : vector<1x16xf32> to vector<16xf32>
        %add3A_342 = arith.addf %scan3A_321, %get3A_341 : vector<16xf32>
        %add3A_343 = arith.constant 1 : i32
        %add3A_344 = arith.addi %add3A_326, %add3A_343 : i32
        %get3A_345 = arith.index_cast %add3A_344 : i32 to index
        %get3A_346 = arith.constant 16 : index
        %get3A_347 = tpu.vector_load %arg8[%get3A_345, %get3A_346] {strides = array<i32>} : memref<1600x32xf32, #tpu.memory_space<vmem>>, vector<1x16xf32>,
        %get3A_348 = vector.shape_cast %get3A_347 : vector<1x16xf32> to vector<16xf32>
        %add3A_349 = arith.addf %scan3A_322, %get3A_348 : vector<16xf32>
        scf.yield %add3A_330, %add3A_335, %add3A_342, %add3A_349 : vector<16xf32>, vector<16xf32>, vector<16xf32>, vector<16xf32>
      }
      %scan3A_204 = arith.constant 100 : i32
      %add3A_205 = arith.addf %scan3A_203#0, %scan3A_203#2 : vector<16xf32>
      %swap3A_206 = arith.constant 32 : index
      %swap3A_207 = tpu.vector_load %arg9[%swap3A_206] {strides = array<i32>} : memref<256xf32, #tpu.memory_space<vmem>>, vector<16xf32>,
      %swap3A_208 = vector.shape_cast %swap3A_207 : vector<16xf32> to vector<16xf32>
      %swap3A_209 = vector.shape_cast %add3A_205 : vector<16xf32> to vector<16xf32>
      tpu.vector_store %arg9[%swap3A_206], %swap3A_209 {strides = array<i32>} : memref<256xf32, #tpu.memory_space<vmem>>, vector<16xf32>,
      %add3A_210 = arith.addf %scan3A_203#1, %scan3A_203#3 : vector<16xf32>
      %swap3A_211 = arith.constant 48 : index
      %swap3A_212 = tpu.vector_load %arg9[%swap3A_211] {strides = array<i32>} : memref<256xf32, #tpu.memory_space<vmem>>, vector<16xf32>,
      %swap3A_213 = vector.shape_cast %swap3A_212 : vector<16xf32> to vector<16xf32>
      %swap3A_214 = vector.shape_cast %add3A_210 : vector<16xf32> to vector<16xf32>
      tpu.vector_store %arg9[%swap3A_211], %swap3A_214 {strides = array<i32>} : memref<256xf32, #tpu.memory_space<vmem>>, vector<16xf32>,
      %scan3A_215 = arith.constant 0 : i32
      %scan3A_216 = arith.constant 100 : i32
      %scan3A_217 = arith.addi %scan3A_215, %scan3A_216 : i32
      %scan3A_218 = arith.constant 1 : i32
      %scan3A_219:4 = scf.for %scan3A_318 = %scan3A_215 to %scan3A_217 step %scan3A_218 iter_args(%scan3A_319 = %broadcast_in_dim3A_5, %scan3A_320 = %broadcast_in_dim3A_5, %scan3A_321 = %broadcast_in_dim3A_5, %scan3A_322 = %broadcast_in_dim3A_5) -> (vector<16xf32>, vector<16xf32>, vector<16xf32>, vector<16xf32>)  : i32 {
        %mul3A_323 = arith.constant 2 : i32
        %mul3A_324 = arith.muli %scan3A_318, %mul3A_323 : i32
        %add3A_325 = arith.constant 400 : i32
        %add3A_326 = arith.addi %add3A_325, %mul3A_324 : i32
        %get3A = arith.index_cast %add3A_326 : i32 to index
        %get3A_327 = arith.constant 0 : index
        %get3A_328 = tpu.vector_load %arg8[%get3A, %get3A_327] {strides = array<i32>} : memref<1600x32xf32, #tpu.memory_space<vmem>>, vector<1x16xf32>,
        %get3A_329 = vector.shape_cast %get3A_328 : vector<1x16xf32> to vector<16xf32>
        %add3A_330 = arith.addf %scan3A_319, %get3A_329 : vector<16xf32>
        %get3A_331 = arith.index_cast %add3A_326 : i32 to index
        %get3A_332 = arith.constant 16 : index
        %get3A_333 = tpu.vector_load %arg8[%get3A_331, %get3A_332] {strides = array<i32>} : memref<1600x32xf32, #tpu.memory_space<vmem>>, vector<1x16xf32>,
        %get3A_334 = vector.shape_cast %get3A_333 : vector<1x16xf32> to vector<16xf32>
        %add3A_335 = arith.addf %scan3A_320, %get3A_334 : vector<16xf32>
        %add3A_336 = arith.constant 1 : i32
        %add3A_337 = arith.addi %add3A_326, %add3A_336 : i32
        %get3A_338 = arith.index_cast %add3A_337 : i32 to index
        %get3A_339 = arith.constant 0 : index
        %get3A_340 = tpu.vector_load %arg8[%get3A_338, %get3A_339] {strides = array<i32>} : memref<1600x32xf32, #tpu.memory_space<vmem>>, vector<1x16xf32>,
        %get3A_341 = vector.shape_cast %get3A_340 : vector<1x16xf32> to vector<16xf32>
        %add3A_342 = arith.addf %scan3A_321, %get3A_341 : vector<16xf32>
        %add3A_343 = arith.constant 1 : i32
        %add3A_344 = arith.addi %add3A_326, %add3A_343 : i32
        %get3A_345 = arith.index_cast %add3A_344 : i32 to index
        %get3A_346 = arith.constant 16 : index
        %get3A_347 = tpu.vector_load %arg8[%get3A_345, %get3A_346] {strides = array<i32>} : memref<1600x32xf32, #tpu.memory_space<vmem>>, vector<1x16xf32>,
        %get3A_348 = vector.shape_cast %get3A_347 : vector<1x16xf32> to vector<16xf32>
        %add3A_349 = arith.addf %scan3A_322, %get3A_348 : vector<16xf32>
        scf.yield %add3A_330, %add3A_335, %add3A_342, %add3A_349 : vector<16xf32>, vector<16xf32>, vector<16xf32>, vector<16xf32>
      }
      %scan3A_220 = arith.constant 100 : i32
      %add3A_221 = arith.addf %scan3A_219#0, %scan3A_219#2 : vector<16xf32>
      %swap3A_222 = arith.constant 64 : index
      %swap3A_223 = tpu.vector_load %arg9[%swap3A_222] {strides = array<i32>} : memref<256xf32, #tpu.memory_space<vmem>>, vector<16xf32>,
      %swap3A_224 = vector.shape_cast %swap3A_223 : vector<16xf32> to vector<16xf32>
      %swap3A_225 = vector.shape_cast %add3A_221 : vector<16xf32> to vector<16xf32>
      tpu.vector_store %arg9[%swap3A_222], %swap3A_225 {strides = array<i32>} : memref<256xf32, #tpu.memory_space<vmem>>, vector<16xf32>,
      %add3A_226 = arith.addf %scan3A_219#1, %scan3A_219#3 : vector<16xf32>
      %swap3A_227 = arith.constant 80 : index
      %swap3A_228 = tpu.vector_load %arg9[%swap3A_227] {strides = array<i32>} : memref<256xf32, #tpu.memory_space<vmem>>, vector<16xf32>,
      %swap3A_229 = vector.shape_cast %swap3A_228 : vector<16xf32> to vector<16xf32>
      %swap3A_230 = vector.shape_cast %add3A_226 : vector<16xf32> to vector<16xf32>
      tpu.vector_store %arg9[%swap3A_227], %swap3A_230 {strides = array<i32>} : memref<256xf32, #tpu.memory_space<vmem>>, vector<16xf32>,
      %scan3A_231 = arith.constant 0 : i32
      %scan3A_232 = arith.constant 100 : i32
      %scan3A_233 = arith.addi %scan3A_231, %scan3A_232 : i32
      %scan3A_234 = arith.constant 1 : i32
      %scan3A_235:4 = scf.for %scan3A_318 = %scan3A_231 to %scan3A_233 step %scan3A_234 iter_args(%scan3A_319 = %broadcast_in_dim3A_5, %scan3A_320 = %broadcast_in_dim3A_5, %scan3A_321 = %broadcast_in_dim3A_5, %scan3A_322 = %broadcast_in_dim3A_5) -> (vector<16xf32>, vector<16xf32>, vector<16xf32>, vector<16xf32>)  : i32 {
        %mul3A_323 = arith.constant 2 : i32
        %mul3A_324 = arith.muli %scan3A_318, %mul3A_323 : i32
        %add3A_325 = arith.constant 600 : i32
        %add3A_326 = arith.addi %add3A_325, %mul3A_324 : i32
        %get3A = arith.index_cast %add3A_326 : i32 to index
        %get3A_327 = arith.constant 0 : index
        %get3A_328 = tpu.vector_load %arg8[%get3A, %get3A_327] {strides = array<i32>} : memref<1600x32xf32, #tpu.memory_space<vmem>>, vector<1x16xf32>,
        %get3A_329 = vector.shape_cast %get3A_328 : vector<1x16xf32> to vector<16xf32>
        %add3A_330 = arith.addf %scan3A_319, %get3A_329 : vector<16xf32>
        %get3A_331 = arith.index_cast %add3A_326 : i32 to index
        %get3A_332 = arith.constant 16 : index
        %get3A_333 = tpu.vector_load %arg8[%get3A_331, %get3A_332] {strides = array<i32>} : memref<1600x32xf32, #tpu.memory_space<vmem>>, vector<1x16xf32>,
        %get3A_334 = vector.shape_cast %get3A_333 : vector<1x16xf32> to vector<16xf32>
        %add3A_335 = arith.addf %scan3A_320, %get3A_334 : vector<16xf32>
        %add3A_336 = arith.constant 1 : i32
        %add3A_337 = arith.addi %add3A_326, %add3A_336 : i32
        %get3A_338 = arith.index_cast %add3A_337 : i32 to index
        %get3A_339 = arith.constant 0 : index
        %get3A_340 = tpu.vector_load %arg8[%get3A_338, %get3A_339] {strides = array<i32>} : memref<1600x32xf32, #tpu.memory_space<vmem>>, vector<1x16xf32>,
        %get3A_341 = vector.shape_cast %get3A_340 : vector<1x16xf32> to vector<16xf32>
        %add3A_342 = arith.addf %scan3A_321, %get3A_341 : vector<16xf32>
        %add3A_343 = arith.constant 1 : i32
        %add3A_344 = arith.addi %add3A_326, %add3A_343 : i32
        %get3A_345 = arith.index_cast %add3A_344 : i32 to index
        %get3A_346 = arith.constant 16 : index
        %get3A_347 = tpu.vector_load %arg8[%get3A_345, %get3A_346] {strides = array<i32>} : memref<1600x32xf32, #tpu.memory_space<vmem>>, vector<1x16xf32>,
        %get3A_348 = vector.shape_cast %get3A_347 : vector<1x16xf32> to vector<16xf32>
        %add3A_349 = arith.addf %scan3A_322, %get3A_348 : vector<16xf32>
        scf.yield %add3A_330, %add3A_335, %add3A_342, %add3A_349 : vector<16xf32>, vector<16xf32>, vector<16xf32>, vector<16xf32>
      }
      %scan3A_236 = arith.constant 100 : i32
      %add3A_237 = arith.addf %scan3A_235#0, %scan3A_235#2 : vector<16xf32>
      %swap3A_238 = arith.constant 96 : index
      %swap3A_239 = tpu.vector_load %arg9[%swap3A_238] {strides = array<i32>} : memref<256xf32, #tpu.memory_space<vmem>>, vector<16xf32>,
      %swap3A_240 = vector.shape_cast %swap3A_239 : vector<16xf32> to vector<16xf32>
      %swap3A_241 = vector.shape_cast %add3A_237 : vector<16xf32> to vector<16xf32>
      tpu.vector_store %arg9[%swap3A_238], %swap3A_241 {strides = array<i32>} : memref<256xf32, #tpu.memory_space<vmem>>, vector<16xf32>,
      %add3A_242 = arith.addf %scan3A_235#1, %scan3A_235#3 : vector<16xf32>
      %swap3A_243 = arith.constant 112 : index
      %swap3A_244 = tpu.vector_load %arg9[%swap3A_243] {strides = array<i32>} : memref<256xf32, #tpu.memory_space<vmem>>, vector<16xf32>,
      %swap3A_245 = vector.shape_cast %swap3A_244 : vector<16xf32> to vector<16xf32>
      %swap3A_246 = vector.shape_cast %add3A_242 : vector<16xf32> to vector<16xf32>
      tpu.vector_store %arg9[%swap3A_243], %swap3A_246 {strides = array<i32>} : memref<256xf32, #tpu.memory_space<vmem>>, vector<16xf32>,
      %scan3A_247 = arith.constant 0 : i32
      %scan3A_248 = arith.constant 100 : i32
      %scan3A_249 = arith.addi %scan3A_247, %scan3A_248 : i32
      %scan3A_250 = arith.constant 1 : i32
      %scan3A_251:4 = scf.for %scan3A_318 = %scan3A_247 to %scan3A_249 step %scan3A_250 iter_args(%scan3A_319 = %broadcast_in_dim3A_5, %scan3A_320 = %broadcast_in_dim3A_5, %scan3A_321 = %broadcast_in_dim3A_5, %scan3A_322 = %broadcast_in_dim3A_5) -> (vector<16xf32>, vector<16xf32>, vector<16xf32>, vector<16xf32>)  : i32 {
        %mul3A_323 = arith.constant 2 : i32
        %mul3A_324 = arith.muli %scan3A_318, %mul3A_323 : i32
        %add3A_325 = arith.constant 800 : i32
        %add3A_326 = arith.addi %add3A_325, %mul3A_324 : i32
        %get3A = arith.index_cast %add3A_326 : i32 to index
        %get3A_327 = arith.constant 0 : index
        %get3A_328 = tpu.vector_load %arg8[%get3A, %get3A_327] {strides = array<i32>} : memref<1600x32xf32, #tpu.memory_space<vmem>>, vector<1x16xf32>,
        %get3A_329 = vector.shape_cast %get3A_328 : vector<1x16xf32> to vector<16xf32>
        %add3A_330 = arith.addf %scan3A_319, %get3A_329 : vector<16xf32>
        %get3A_331 = arith.index_cast %add3A_326 : i32 to index
        %get3A_332 = arith.constant 16 : index
        %get3A_333 = tpu.vector_load %arg8[%get3A_331, %get3A_332] {strides = array<i32>} : memref<1600x32xf32, #tpu.memory_space<vmem>>, vector<1x16xf32>,
        %get3A_334 = vector.shape_cast %get3A_333 : vector<1x16xf32> to vector<16xf32>
        %add3A_335 = arith.addf %scan3A_320, %get3A_334 : vector<16xf32>
        %add3A_336 = arith.constant 1 : i32
        %add3A_337 = arith.addi %add3A_326, %add3A_336 : i32
        %get3A_338 = arith.index_cast %add3A_337 : i32 to index
        %get3A_339 = arith.constant 0 : index
        %get3A_340 = tpu.vector_load %arg8[%get3A_338, %get3A_339] {strides = array<i32>} : memref<1600x32xf32, #tpu.memory_space<vmem>>, vector<1x16xf32>,
        %get3A_341 = vector.shape_cast %get3A_340 : vector<1x16xf32> to vector<16xf32>
        %add3A_342 = arith.addf %scan3A_321, %get3A_341 : vector<16xf32>
        %add3A_343 = arith.constant 1 : i32
        %add3A_344 = arith.addi %add3A_326, %add3A_343 : i32
        %get3A_345 = arith.index_cast %add3A_344 : i32 to index
        %get3A_346 = arith.constant 16 : index
        %get3A_347 = tpu.vector_load %arg8[%get3A_345, %get3A_346] {strides = array<i32>} : memref<1600x32xf32, #tpu.memory_space<vmem>>, vector<1x16xf32>,
        %get3A_348 = vector.shape_cast %get3A_347 : vector<1x16xf32> to vector<16xf32>
        %add3A_349 = arith.addf %scan3A_322, %get3A_348 : vector<16xf32>
        scf.yield %add3A_330, %add3A_335, %add3A_342, %add3A_349 : vector<16xf32>, vector<16xf32>, vector<16xf32>, vector<16xf32>
      }
      %scan3A_252 = arith.constant 100 : i32
      %add3A_253 = arith.addf %scan3A_251#0, %scan3A_251#2 : vector<16xf32>
      %swap3A_254 = arith.constant 128 : index
      %swap3A_255 = tpu.vector_load %arg9[%swap3A_254] {strides = array<i32>} : memref<256xf32, #tpu.memory_space<vmem>>, vector<16xf32>,
      %swap3A_256 = vector.shape_cast %swap3A_255 : vector<16xf32> to vector<16xf32>
      %swap3A_257 = vector.shape_cast %add3A_253 : vector<16xf32> to vector<16xf32>
      tpu.vector_store %arg9[%swap3A_254], %swap3A_257 {strides = array<i32>} : memref<256xf32, #tpu.memory_space<vmem>>, vector<16xf32>,
      %add3A_258 = arith.addf %scan3A_251#1, %scan3A_251#3 : vector<16xf32>
      %swap3A_259 = arith.constant 144 : index
      %swap3A_260 = tpu.vector_load %arg9[%swap3A_259] {strides = array<i32>} : memref<256xf32, #tpu.memory_space<vmem>>, vector<16xf32>,
      %swap3A_261 = vector.shape_cast %swap3A_260 : vector<16xf32> to vector<16xf32>
      %swap3A_262 = vector.shape_cast %add3A_258 : vector<16xf32> to vector<16xf32>
      tpu.vector_store %arg9[%swap3A_259], %swap3A_262 {strides = array<i32>} : memref<256xf32, #tpu.memory_space<vmem>>, vector<16xf32>,
      %scan3A_263 = arith.constant 0 : i32
      %scan3A_264 = arith.constant 100 : i32
      %scan3A_265 = arith.addi %scan3A_263, %scan3A_264 : i32
      %scan3A_266 = arith.constant 1 : i32
      %scan3A_267:4 = scf.for %scan3A_318 = %scan3A_263 to %scan3A_265 step %scan3A_266 iter_args(%scan3A_319 = %broadcast_in_dim3A_5, %scan3A_320 = %broadcast_in_dim3A_5, %scan3A_321 = %broadcast_in_dim3A_5, %scan3A_322 = %broadcast_in_dim3A_5) -> (vector<16xf32>, vector<16xf32>, vector<16xf32>, vector<16xf32>)  : i32 {
        %mul3A_323 = arith.constant 2 : i32
        %mul3A_324 = arith.muli %scan3A_318, %mul3A_323 : i32
        %add3A_325 = arith.constant 1000 : i32
        %add3A_326 = arith.addi %add3A_325, %mul3A_324 : i32
        %get3A = arith.index_cast %add3A_326 : i32 to index
        %get3A_327 = arith.constant 0 : index
        %get3A_328 = tpu.vector_load %arg8[%get3A, %get3A_327] {strides = array<i32>} : memref<1600x32xf32, #tpu.memory_space<vmem>>, vector<1x16xf32>,
        %get3A_329 = vector.shape_cast %get3A_328 : vector<1x16xf32> to vector<16xf32>
        %add3A_330 = arith.addf %scan3A_319, %get3A_329 : vector<16xf32>
        %get3A_331 = arith.index_cast %add3A_326 : i32 to index
        %get3A_332 = arith.constant 16 : index
        %get3A_333 = tpu.vector_load %arg8[%get3A_331, %get3A_332] {strides = array<i32>} : memref<1600x32xf32, #tpu.memory_space<vmem>>, vector<1x16xf32>,
        %get3A_334 = vector.shape_cast %get3A_333 : vector<1x16xf32> to vector<16xf32>
        %add3A_335 = arith.addf %scan3A_320, %get3A_334 : vector<16xf32>
        %add3A_336 = arith.constant 1 : i32
        %add3A_337 = arith.addi %add3A_326, %add3A_336 : i32
        %get3A_338 = arith.index_cast %add3A_337 : i32 to index
        %get3A_339 = arith.constant 0 : index
        %get3A_340 = tpu.vector_load %arg8[%get3A_338, %get3A_339] {strides = array<i32>} : memref<1600x32xf32, #tpu.memory_space<vmem>>, vector<1x16xf32>,
        %get3A_341 = vector.shape_cast %get3A_340 : vector<1x16xf32> to vector<16xf32>
        %add3A_342 = arith.addf %scan3A_321, %get3A_341 : vector<16xf32>
        %add3A_343 = arith.constant 1 : i32
        %add3A_344 = arith.addi %add3A_326, %add3A_343 : i32
        %get3A_345 = arith.index_cast %add3A_344 : i32 to index
        %get3A_346 = arith.constant 16 : index
        %get3A_347 = tpu.vector_load %arg8[%get3A_345, %get3A_346] {strides = array<i32>} : memref<1600x32xf32, #tpu.memory_space<vmem>>, vector<1x16xf32>,
        %get3A_348 = vector.shape_cast %get3A_347 : vector<1x16xf32> to vector<16xf32>
        %add3A_349 = arith.addf %scan3A_322, %get3A_348 : vector<16xf32>
        scf.yield %add3A_330, %add3A_335, %add3A_342, %add3A_349 : vector<16xf32>, vector<16xf32>, vector<16xf32>, vector<16xf32>
      }
      %scan3A_268 = arith.constant 100 : i32
      %add3A_269 = arith.addf %scan3A_267#0, %scan3A_267#2 : vector<16xf32>
      %swap3A_270 = arith.constant 160 : index
      %swap3A_271 = tpu.vector_load %arg9[%swap3A_270] {strides = array<i32>} : memref<256xf32, #tpu.memory_space<vmem>>, vector<16xf32>,
      %swap3A_272 = vector.shape_cast %swap3A_271 : vector<16xf32> to vector<16xf32>
      %swap3A_273 = vector.shape_cast %add3A_269 : vector<16xf32> to vector<16xf32>
      tpu.vector_store %arg9[%swap3A_270], %swap3A_273 {strides = array<i32>} : memref<256xf32, #tpu.memory_space<vmem>>, vector<16xf32>,
      %add3A_274 = arith.addf %scan3A_267#1, %scan3A_267#3 : vector<16xf32>
      %swap3A_275 = arith.constant 176 : index
      %swap3A_276 = tpu.vector_load %arg9[%swap3A_275] {strides = array<i32>} : memref<256xf32, #tpu.memory_space<vmem>>, vector<16xf32>,
      %swap3A_277 = vector.shape_cast %swap3A_276 : vector<16xf32> to vector<16xf32>
      %swap3A_278 = vector.shape_cast %add3A_274 : vector<16xf32> to vector<16xf32>
      tpu.vector_store %arg9[%swap3A_275], %swap3A_278 {strides = array<i32>} : memref<256xf32, #tpu.memory_space<vmem>>, vector<16xf32>,
      %scan3A_279 = arith.constant 0 : i32
      %scan3A_280 = arith.constant 100 : i32
      %scan3A_281 = arith.addi %scan3A_279, %scan3A_280 : i32
      %scan3A_282 = arith.constant 1 : i32
      %scan3A_283:4 = scf.for %scan3A_318 = %scan3A_279 to %scan3A_281 step %scan3A_282 iter_args(%scan3A_319 = %broadcast_in_dim3A_5, %scan3A_320 = %broadcast_in_dim3A_5, %scan3A_321 = %broadcast_in_dim3A_5, %scan3A_322 = %broadcast_in_dim3A_5) -> (vector<16xf32>, vector<16xf32>, vector<16xf32>, vector<16xf32>)  : i32 {
        %mul3A_323 = arith.constant 2 : i32
        %mul3A_324 = arith.muli %scan3A_318, %mul3A_323 : i32
        %add3A_325 = arith.constant 1200 : i32
        %add3A_326 = arith.addi %add3A_325, %mul3A_324 : i32
        %get3A = arith.index_cast %add3A_326 : i32 to index
        %get3A_327 = arith.constant 0 : index
        %get3A_328 = tpu.vector_load %arg8[%get3A, %get3A_327] {strides = array<i32>} : memref<1600x32xf32, #tpu.memory_space<vmem>>, vector<1x16xf32>,
        %get3A_329 = vector.shape_cast %get3A_328 : vector<1x16xf32> to vector<16xf32>
        %add3A_330 = arith.addf %scan3A_319, %get3A_329 : vector<16xf32>
        %get3A_331 = arith.index_cast %add3A_326 : i32 to index
        %get3A_332 = arith.constant 16 : index
        %get3A_333 = tpu.vector_load %arg8[%get3A_331, %get3A_332] {strides = array<i32>} : memref<1600x32xf32, #tpu.memory_space<vmem>>, vector<1x16xf32>,
        %get3A_334 = vector.shape_cast %get3A_333 : vector<1x16xf32> to vector<16xf32>
        %add3A_335 = arith.addf %scan3A_320, %get3A_334 : vector<16xf32>
        %add3A_336 = arith.constant 1 : i32
        %add3A_337 = arith.addi %add3A_326, %add3A_336 : i32
        %get3A_338 = arith.index_cast %add3A_337 : i32 to index
        %get3A_339 = arith.constant 0 : index
        %get3A_340 = tpu.vector_load %arg8[%get3A_338, %get3A_339] {strides = array<i32>} : memref<1600x32xf32, #tpu.memory_space<vmem>>, vector<1x16xf32>,
        %get3A_341 = vector.shape_cast %get3A_340 : vector<1x16xf32> to vector<16xf32>
        %add3A_342 = arith.addf %scan3A_321, %get3A_341 : vector<16xf32>
        %add3A_343 = arith.constant 1 : i32
        %add3A_344 = arith.addi %add3A_326, %add3A_343 : i32
        %get3A_345 = arith.index_cast %add3A_344 : i32 to index
        %get3A_346 = arith.constant 16 : index
        %get3A_347 = tpu.vector_load %arg8[%get3A_345, %get3A_346] {strides = array<i32>} : memref<1600x32xf32, #tpu.memory_space<vmem>>, vector<1x16xf32>,
        %get3A_348 = vector.shape_cast %get3A_347 : vector<1x16xf32> to vector<16xf32>
        %add3A_349 = arith.addf %scan3A_322, %get3A_348 : vector<16xf32>
        scf.yield %add3A_330, %add3A_335, %add3A_342, %add3A_349 : vector<16xf32>, vector<16xf32>, vector<16xf32>, vector<16xf32>
      }
      %scan3A_284 = arith.constant 100 : i32
      %add3A_285 = arith.addf %scan3A_283#0, %scan3A_283#2 : vector<16xf32>
      %swap3A_286 = arith.constant 192 : index
      %swap3A_287 = tpu.vector_load %arg9[%swap3A_286] {strides = array<i32>} : memref<256xf32, #tpu.memory_space<vmem>>, vector<16xf32>,
      %swap3A_288 = vector.shape_cast %swap3A_287 : vector<16xf32> to vector<16xf32>
      %swap3A_289 = vector.shape_cast %add3A_285 : vector<16xf32> to vector<16xf32>
      tpu.vector_store %arg9[%swap3A_286], %swap3A_289 {strides = array<i32>} : memref<256xf32, #tpu.memory_space<vmem>>, vector<16xf32>,
      %add3A_290 = arith.addf %scan3A_283#1, %scan3A_283#3 : vector<16xf32>
      %swap3A_291 = arith.constant 208 : index
      %swap3A_292 = tpu.vector_load %arg9[%swap3A_291] {strides = array<i32>} : memref<256xf32, #tpu.memory_space<vmem>>, vector<16xf32>,
      %swap3A_293 = vector.shape_cast %swap3A_292 : vector<16xf32> to vector<16xf32>
      %swap3A_294 = vector.shape_cast %add3A_290 : vector<16xf32> to vector<16xf32>
      tpu.vector_store %arg9[%swap3A_291], %swap3A_294 {strides = array<i32>} : memref<256xf32, #tpu.memory_space<vmem>>, vector<16xf32>,
      %scan3A_295 = arith.constant 0 : i32
      %scan3A_296 = arith.constant 100 : i32
      %scan3A_297 = arith.addi %scan3A_295, %scan3A_296 : i32
      %scan3A_298 = arith.constant 1 : i32
      %scan3A_299:4 = scf.for %scan3A_318 = %scan3A_295 to %scan3A_297 step %scan3A_298 iter_args(%scan3A_319 = %broadcast_in_dim3A_5, %scan3A_320 = %broadcast_in_dim3A_5, %scan3A_321 = %broadcast_in_dim3A_5, %scan3A_322 = %broadcast_in_dim3A_5) -> (vector<16xf32>, vector<16xf32>, vector<16xf32>, vector<16xf32>)  : i32 {
        %mul3A_323 = arith.constant 2 : i32
        %mul3A_324 = arith.muli %scan3A_318, %mul3A_323 : i32
        %add3A_325 = arith.constant 1400 : i32
        %add3A_326 = arith.addi %add3A_325, %mul3A_324 : i32
        %get3A = arith.index_cast %add3A_326 : i32 to index
        %get3A_327 = arith.constant 0 : index
        %get3A_328 = tpu.vector_load %arg8[%get3A, %get3A_327] {strides = array<i32>} : memref<1600x32xf32, #tpu.memory_space<vmem>>, vector<1x16xf32>,
        %get3A_329 = vector.shape_cast %get3A_328 : vector<1x16xf32> to vector<16xf32>
        %add3A_330 = arith.addf %scan3A_319, %get3A_329 : vector<16xf32>
        %get3A_331 = arith.index_cast %add3A_326 : i32 to index
        %get3A_332 = arith.constant 16 : index
        %get3A_333 = tpu.vector_load %arg8[%get3A_331, %get3A_332] {strides = array<i32>} : memref<1600x32xf32, #tpu.memory_space<vmem>>, vector<1x16xf32>,
        %get3A_334 = vector.shape_cast %get3A_333 : vector<1x16xf32> to vector<16xf32>
        %add3A_335 = arith.addf %scan3A_320, %get3A_334 : vector<16xf32>
        %add3A_336 = arith.constant 1 : i32
        %add3A_337 = arith.addi %add3A_326, %add3A_336 : i32
        %get3A_338 = arith.index_cast %add3A_337 : i32 to index
        %get3A_339 = arith.constant 0 : index
        %get3A_340 = tpu.vector_load %arg8[%get3A_338, %get3A_339] {strides = array<i32>} : memref<1600x32xf32, #tpu.memory_space<vmem>>, vector<1x16xf32>,
        %get3A_341 = vector.shape_cast %get3A_340 : vector<1x16xf32> to vector<16xf32>
        %add3A_342 = arith.addf %scan3A_321, %get3A_341 : vector<16xf32>
        %add3A_343 = arith.constant 1 : i32
        %add3A_344 = arith.addi %add3A_326, %add3A_343 : i32
        %get3A_345 = arith.index_cast %add3A_344 : i32 to index
        %get3A_346 = arith.constant 16 : index
        %get3A_347 = tpu.vector_load %arg8[%get3A_345, %get3A_346] {strides = array<i32>} : memref<1600x32xf32, #tpu.memory_space<vmem>>, vector<1x16xf32>,
        %get3A_348 = vector.shape_cast %get3A_347 : vector<1x16xf32> to vector<16xf32>
        %add3A_349 = arith.addf %scan3A_322, %get3A_348 : vector<16xf32>
        scf.yield %add3A_330, %add3A_335, %add3A_342, %add3A_349 : vector<16xf32>, vector<16xf32>, vector<16xf32>, vector<16xf32>
      }
      %scan3A_300 = arith.constant 100 : i32
      %add3A_301 = arith.addf %scan3A_299#0, %scan3A_299#2 : vector<16xf32>
      %swap3A_302 = arith.constant 224 : index
      %swap3A_303 = tpu.vector_load %arg9[%swap3A_302] {strides = array<i32>} : memref<256xf32, #tpu.memory_space<vmem>>, vector<16xf32>,
      %swap3A_304 = vector.shape_cast %swap3A_303 : vector<16xf32> to vector<16xf32>
      %swap3A_305 = vector.shape_cast %add3A_301 : vector<16xf32> to vector<16xf32>
      tpu.vector_store %arg9[%swap3A_302], %swap3A_305 {strides = array<i32>} : memref<256xf32, #tpu.memory_space<vmem>>, vector<16xf32>,
      %add3A_306 = arith.addf %scan3A_299#1, %scan3A_299#3 : vector<16xf32>
      %swap3A_307 = arith.constant 240 : index
      %swap3A_308 = tpu.vector_load %arg9[%swap3A_307] {strides = array<i32>} : memref<256xf32, #tpu.memory_space<vmem>>, vector<16xf32>,
      %swap3A_309 = vector.shape_cast %swap3A_308 : vector<16xf32> to vector<16xf32>
      %swap3A_310 = vector.shape_cast %add3A_306 : vector<16xf32> to vector<16xf32>
      tpu.vector_store %arg9[%swap3A_307], %swap3A_310 {strides = array<i32>} : memref<256xf32, #tpu.memory_space<vmem>>, vector<16xf32>,
      %mul3A_311 = arith.constant 512 : i32
      %mul3A_312 = arith.muli %add3A, %mul3A_311 : i32
      %mul3A_313 = arith.constant 8 : i32
      %mul3A_314 = arith.muli %add3A_179, %mul3A_313 : i32
      %add3A_315 = arith.addi %mul3A_312, %mul3A_314 : i32
      %mul3A_316 = arith.constant 32 : i32
      %mul3A_317 = arith.muli %add3A_315, %mul3A_316 : i32
      "tpu.region"() ({
        %run_scoped3A = tpu.sem_alloc : memref<!tpu.dma_semaphore, #tpu.memory_space<semaphore_mem>>
        %dma_start3A_318 = tpu.memref_slice %arg4[%mul3A_317] : memref<524288xf32, #tpu.memory_space<hbm>> -> memref<256xf32, #tpu.memory_space<hbm>>
        %dma_start3A_319 = tpu.memref_slice %arg4[%mul3A_317] : memref<524288xf32, #tpu.memory_space<hbm>> -> memref<256xf32, #tpu.memory_space<hbm>>
        tpu.enqueue_dma source(%arg9 : memref<256xf32, #tpu.memory_space<vmem>>) target(%dma_start3A_319 : memref<256xf32, #tpu.memory_space<hbm>>) target_semaphore(%run_scoped3A : memref<!tpu.dma_semaphore, #tpu.memory_space<semaphore_mem>>)
        %dma_wait3A_320 = tpu.memref_slice %arg4[%mul3A_317] : memref<524288xf32, #tpu.memory_space<hbm>> -> memref<256xf32, #tpu.memory_space<hbm>>
        %dma_wait3A_321 = tpu.memref_slice %arg4[%mul3A_317] : memref<524288xf32, #tpu.memory_space<hbm>> -> memref<256xf32, #tpu.memory_space<hbm>>
        tpu.wait_dma2 semaphore(%run_scoped3A : memref<!tpu.dma_semaphore, #tpu.memory_space<semaphore_mem>>) src(%arg9 : memref<256xf32, #tpu.memory_space<vmem>>) dst(%dma_wait3A_321 : memref<256xf32, #tpu.memory_space<hbm>>)
        tpu.yield
      }) : () -> ()
    }
    %scan3A_21 = arith.constant 32 : i32
    return
  }
}

module attributes {stable_mosaic.version = 14 : i64} {
  func.func @body(%arg0: i32, %arg1: memref<1024x200xi32, #tpu.memory_space<vmem>>, %arg2: memref<1024x32xf32, #tpu.memory_space<vmem>>, %arg3: memref<32x16xf32, #tpu.memory_space<vmem>>, %arg4: memref<1x16xf32, #tpu.memory_space<vmem>>, %arg5: memref<1024x16xf32, #tpu.memory_space<vmem>>) attributes {dimension_semantics = [#tpu.dimension_semantics<arbitrary>], iteration_bounds = array<i64: 16>, scalar_prefetch = 0 : i64, scratch_operands = 0 : i64, tpu.core_type = #tpu.core_type<tc>, window_params = [{transform_indices = @transform_0, window_bounds = array<i64: 1024, 200>}, {transform_indices = @transform_1, window_bounds = array<i64: 1024, 32>}, {pipeline_mode = #tpu.pipeline_mode<synchronous>, transform_indices = @transform_2, window_bounds = array<i64: 32, 16>}, {pipeline_mode = #tpu.pipeline_mode<synchronous>, transform_indices = @transform_3, window_bounds = array<i64: 1, 16>}, {transform_indices = @transform_4, window_bounds = array<i64: 1024, 16>}]} {
    %get3A = arith.constant 0 : index
    %get3A_0 = arith.constant 0 : index
    %get3A_1 = vector.load %arg1[%get3A, %get3A_0] : memref<1024x200xi32, #tpu.memory_space<vmem>>, vector<1024x200xi32>
    %convert_element_type3A = arith.sitofp %get3A_1 : vector<1024x200xi32> to vector<1024x200xf32>
    %reduce_sum3A = arith.constant dense<0.000000e+00> : vector<1024xf32>
    %reduce_sum3A_2 = vector.multi_reduction <add>, %convert_element_type3A, %reduce_sum3A [1] : vector<1024x200xf32> to vector<1024xf32>
    %broadcast_in_dim3A = vector.shape_cast %reduce_sum3A_2 : vector<1024xf32> to vector<1024x1xf32>
    %get3A_3 = arith.constant 0 : index
    %get3A_4 = arith.constant 0 : index
    %get3A_5 = vector.load %arg2[%get3A_3, %get3A_4] : memref<1024x32xf32, #tpu.memory_space<vmem>>, vector<1024x32xf32>
    %max3A = arith.constant 1.000000e+00 : f32
    %max3A_6 = vector.broadcast %max3A : f32 to vector<1024x1xf32>
    %max3A_7 = arith.maximumf %broadcast_in_dim3A, %max3A_6 : vector<1024x1xf32>
    %div3A = vector.broadcast %max3A_7 : vector<1024x1xf32> to vector<1024x32xf32>
    %div3A_8 = arith.divf %get3A_5, %div3A : vector<1024x32xf32>
    %get3A_9 = arith.constant 0 : index
    %get3A_10 = arith.constant 0 : index
    %get3A_11 = vector.load %arg3[%get3A_9, %get3A_10] : memref<32x16xf32, #tpu.memory_space<vmem>>, vector<32x16xf32>
    %dot_general3A = arith.constant dense<0.000000e+00> : vector<1024x16xf32>
    %dot_general3A_12 = tpu.matmul %div3A_8, %get3A_11, %dot_general3A {dimension_numbers = #tpu.dot_dimension_numbers<[1], [0], [0], [1], [0, 0, 1, 1], [], []>, transpose_lhs_hint = false} : vector<1024x32xf32>, vector<32x16xf32>, vector<1024x16xf32> -> vector<1024x16xf32>
    %get3A_13 = arith.constant 0 : index
    %get3A_14 = arith.constant 0 : index
    %get3A_15 = vector.load %arg4[%get3A_13, %get3A_14] : memref<1x16xf32, #tpu.memory_space<vmem>>, vector<1x16xf32>
    %add3A = vector.broadcast %get3A_15 : vector<1x16xf32> to vector<1024x16xf32>
    %add3A_16 = arith.addf %dot_general3A_12, %add3A : vector<1024x16xf32>
    %tanh3A = math.tanh %add3A_16 : vector<1024x16xf32>
    %mul3A = arith.constant 3.14159274 : f32
    %mul3A_17 = vector.broadcast %mul3A : f32 to vector<1024x16xf32>
    %mul3A_18 = arith.mulf %tanh3A, %mul3A_17 : vector<1024x16xf32>
    %swap3A = arith.constant 0 : index
    %swap3A_19 = arith.constant 0 : index
    %swap3A_20 = vector.load %arg5[%swap3A, %swap3A_19] : memref<1024x16xf32, #tpu.memory_space<vmem>>, vector<1024x16xf32>
    tpu.vector_store %arg5[%swap3A, %swap3A_19], %mul3A_18 {strides = array<i32>} : memref<1024x16xf32, #tpu.memory_space<vmem>>, vector<1024x16xf32>,
    return
  }
  func.func @transform_0(%arg0: i32) -> (i32, i32) {
    %c0_i32 = arith.constant 0 : i32
    %c0_i32_0 = arith.constant 0 : i32
    return %arg0, %c0_i32 : i32, i32
  }
  func.func @transform_1(%arg0: i32) -> (i32, i32) {
    %c0_i32 = arith.constant 0 : i32
    %c0_i32_0 = arith.constant 0 : i32
    return %arg0, %c0_i32 : i32, i32
  }
  func.func @transform_2(%arg0: i32) -> (i32, i32) {
    %c0_i32 = arith.constant 0 : i32
    %c0_i32_0 = arith.constant 0 : i32
    %c0_i32_1 = arith.constant 0 : i32
    return %c0_i32, %c0_i32_0 : i32, i32
  }
  func.func @transform_3(%arg0: i32) -> (i32, i32) {
    %c0_i32 = arith.constant 0 : i32
    %c0_i32_0 = arith.constant 0 : i32
    %c0_i32_1 = arith.constant 0 : i32
    return %c0_i32, %c0_i32_0 : i32, i32
  }
  func.func @transform_4(%arg0: i32) -> (i32, i32) {
    %c0_i32 = arith.constant 0 : i32
    %c0_i32_0 = arith.constant 0 : i32
    return %arg0, %c0_i32 : i32, i32
  }
}

</mosaic_0001>

<sc_bundles>
// kernel: kernel.4.cloned.1.call-start
scs
__scs_entry_jumppad:
0x0: {  	(pc) =	sbr.rel $0x88, $3  }
0x1: {  	(tag) =	ssettag $0x0;
	lr =	simm.s32 $0x1  }
0x2: {  	[smem:$0x3F9C] =	sst lr;
	_ =	strace $0xD0000000  }
0x3: {  	_ = 	snop  }
0x4: {  	_ = 	snop  }
0x5: {  	_ = 	snop  }
0x6: {  	_ = 	snop  }
0x7: {  	_ = 	snop  }
__scs_overlays_trampoline_lowered:
0x8: {  	[smem:$0x3FAB] =	sst s0  }
0x9: {  	[smem:$0x3FAC] =	sst s1  }
0xa: {  	[smem:$0x3FAD] =	sst s2  }
0xb: {  	[smem:$0x3FAE] =	sst s3  }
0xc: {  	[smem:$0x3FAF] =	sst s4  }
0xd: {  	[smem:$0x3FB0] =	sst s5  }
0xe: {  	[smem:$0x3FB1] =	sst s6  }
0xf: {  	[smem:$0x3FB2] =	sst s7  }
0x10: {  	[smem:$0x3FB3] =	sst s8  }
0x11: {  	[smem:$0x3FB4] =	sst s9;
	s0 =	simm.s32 @!p0 $0x0  }
0x12: {  	s1 =	sld [smem:$0x3F9A];
	s0 =	simm.s32 @p0 $0x1  }
0x13: {  	[smem:$0x3FB5] =	sst s0;
	s0 =	simm.s32 @!p1 $0x0  }
0x14: {  	s2 =	sld [smem:$0x3F99];
	s0 =	simm.s32 @p1 $0x1  }
0x15: {  	[smem:$0x3FB6] =	sst s0;
	s0 =	simm.s32 @!p2 $0x0  }
0x16: {  	s3 =	sld [smem:$0x3FDB];
	s0 =	simm.s32 @p2 $0x1  }
0x17: {  	s4 =	simm.s32 $0x1BF5;
	[smem:$0x3FB8] =	sst s0  }
0x18: {  	s0 =	sld [smem:$0x3F9B];
	_ =	swait.ge [sflag:s4], $0x0  }
0x19: {  	s7 =	sld [smem:$0x3F9C]  }
0x1a: {  	s8 =	sadd.s32 $0xFFFFE003, lr  }
0x1b: {  	s9 =	sadd.s32 $0xFFFFFEF7, lr;
	s5 =	simm.s32 $0xFFFFFFFF;
	p2 =	slt.u32 s8, $0xFFFFF086  }
0x1c: {  	p1 =	slt.u32 s9, $0xF7A;
	s5 =	simm.s32 @!p2 $0x0  }
0x1d: {  	s5 =	simm.s32 @p1 $0x1;
	p0 =	seq.s32 s7, s2  }
0x1e: {  	s7 =	smul.u32 @!p0 $0xF7A, s2;
	p2 =	seq.s32 @!p0 s5, $0x0  }
0x1f: {  	s9 =	smul.u32 $0xF7A, s1;
	s8 =	simm.s32 @!p0 $0x1BF5;
	p2 =	por !p2, p0  }
0x20: {  	[sflag:s8] =	ssyncset.s32 @!p0 $0xFFFFF086;
	s6 =	sadd.s32 @!p0 s3, s7;
	s7 =	simm.s32 @!p0 $0x108  }
0x21: {  	s3 =	sadd.s32 s3, s9;
	s6 =	sadd.s32 @!p0 $0x88, s6;
	s7 =	simm.s32 @p2 $0x1082  }
0x22: {  	[simem:s7], [sflag:s8] =	dma.local @!p0 [hbm:s6], $0xF7A  }
0x23: {  	s9 =	sor.u32 $0xD0000000, s2;
	s6 =	simm.s32 $0x108;
	_ =	swait.ge @!p0 [sflag:s8], $0x0  }
0x24: {  	s3 =	sadd.s32 $0x88, s3;
	s6 =	simm.s32 @!p1 $0x1082;
	[sflag:s4] =	ssyncset.s32 $0xFFFFF086  }
0x25: {  	[simem:s6], [sflag:s4] =	dma.local [hbm:s3], $0xF7A  }
0x26: {  	[smem:$0x3F9C] =	sst s1;
	(tag) =	ssettag s2;
	_ =	strace s9  }
0x27: {  	s1 =	sld [smem:$0x3FAC]  }
0x28: {  	s2 =	sld [smem:$0x3FAD]  }
0x29: {  	s4 =	sld [smem:$0x3FAF]  }
0x2a: {  	p0 =	seq.s32 s5, $0x0;
	s5 =	sld [smem:$0x3FB0]  }
0x2b: {  	s6 =	sld [smem:$0x3FB1]  }
0x2c: {  	s7 =	sld [smem:$0x3FB2]  }
0x2d: {  	s3 =	simm.s32 $0x108;
	s8 =	sld [smem:$0x3FB3]  }
0x2e: {  	s3 =	simm.s32 @!p0 $0x1082;
	s9 =	sld [smem:$0x3FB4]  }
0x2f: {  	lr =	sadd.s32 s0, s3;
	s0 =	sld [smem:$0x3FAB]  }
0x30: {  	s3 =	sld [smem:$0x3FAE]  }
0x31: {  	[smem:$0x3FB7] =	sst s10  }
0x32: {  	s10 =	sld [smem:$0x3FB5];
	_ =	sdelay $0x3  }
0x33: {  	p0 =	seq.s32 s10, $0x1;
	s10 =	sld [smem:$0x3FB7];
	_ =	sdelay $0x3  }
0x34: {  	[smem:$0x3FB7] =	sst s10  }
0x35: {  	s10 =	sld [smem:$0x3FB6];
	_ =	sdelay $0x3  }
0x36: {  	p1 =	seq.s32 s10, $0x1;
	s10 =	sld [smem:$0x3FB7];
	_ =	sdelay $0x3  }
0x37: {  	[smem:$0x3FB7] =	sst s10  }
0x38: {  	s10 =	sld [smem:$0x3FB8]  }
0x39: {  	_ = 	snop;
	(pc) =	sbr.ind lr, $3  }
0x3a: {  	_ = 	snop  }
0x3b: {  	_ = 	snop  }
0x3c: {  	p2 =	seq.s32 s10, $0x1;
	s10 =	sld [smem:$0x3FB7]  }
0x3d: {  	_ =	shalt  }
0x3e: {  	_ =	shalt  }
0x3f: {  	_ =	shalt  }
0x40: {  	_ =	shalt  }
0x41: {  	_ =	shalt  }
0x42: {  	_ =	shalt  }
0x43: {  	_ =	shalt  }
0x44: {  	_ =	shalt  }
0x45: {  	_ =	shalt  }
0x46: {  	_ =	shalt  }
0x47: {  	_ =	shalt  }
0x48: {  	_ =	shalt  }
0x49: {  	_ =	shalt  }
0x4a: {  	_ =	shalt  }
0x4b: {  	_ =	shalt  }
0x4c: {  	_ =	shalt  }
0x4d: {  	_ =	shalt  }
0x4e: {  	_ =	shalt  }
0x4f: {  	_ =	shalt  }
0x50: {  	_ =	shalt  }
0x51: {  	_ =	shalt  }
0x52: {  	_ =	shalt  }
0x53: {  	_ =	shalt  }
0x54: {  	_ =	shalt  }
0x55: {  	_ =	shalt  }
0x56: {  	_ =	shalt  }
0x57: {  	_ =	shalt  }
0x58: {  	_ =	shalt  }
0x59: {  	_ =	shalt  }
0x5a: {  	_ =	shalt  }
0x5b: {  	_ =	shalt  }
0x5c: {  	_ =	shalt  }
0x5d: {  	_ =	shalt  }
0x5e: {  	_ =	shalt  }
0x5f: {  	_ =	shalt  }
0x60: {  	_ =	shalt  }
0x61: {  	_ =	shalt  }
0x62: {  	_ =	shalt  }
0x63: {  	_ =	shalt  }
0x64: {  	_ =	shalt  }
0x65: {  	_ =	shalt  }
0x66: {  	_ =	shalt  }
0x67: {  	_ =	shalt  }
0x68: {  	_ =	shalt  }
0x69: {  	_ =	shalt  }
0x6a: {  	_ =	shalt  }
0x6b: {  	_ =	shalt  }
0x6c: {  	_ =	shalt  }
0x6d: {  	_ =	shalt  }
0x6e: {  	_ =	shalt  }
0x6f: {  	_ =	shalt  }
0x70: {  	_ =	shalt  }
0x71: {  	_ =	shalt  }
0x72: {  	_ =	shalt  }
0x73: {  	_ =	shalt  }
0x74: {  	_ =	shalt  }
0x75: {  	_ =	shalt  }
0x76: {  	_ =	shalt  }
0x77: {  	_ =	shalt  }
0x78: {  	_ =	shalt  }
0x79: {  	_ =	shalt  }
0x7a: {  	_ =	shalt  }
0x7b: {  	_ =	shalt  }
0x7c: {  	_ =	shalt  }
0x7d: {  	_ =	shalt  }
0x7e: {  	_ =	shalt  }
0x7f: {  	_ =	shalt  }
0x80: {  	_ =	shalt  }
0x81: {  	_ =	shalt  }
0x82: {  	_ =	shalt  }
0x83: {  	_ =	shalt  }
0x84: {  	_ =	shalt  }
0x85: {  	_ =	shalt  }
0x86: {  	_ =	shalt  }
0x87: {  	_ =	shalt  }
.Lfunc_end0:
.L_simem_size_0:
called_computation_lowered:
.L_overlay_start_0:
0x88: {  	s2 =	sld [smem:$0x3FD9]  }
0x89: {  	s3 =	sld [smem:$0x3FFE];
	_ =	sdelay $0x1  }
0x8a: {  	s1 =	srdreg.scid  }
0x8b: {  	s0 =	sand.u32 $0x1, s1  }
0x8c: {  	s16 =	sshll.u32 s0, $0xA;
	s2 =	sadd.s32 s3, s2  }
0x8d: {  	s2 =	sadd.s32 s2, s16  }
0x8e: {  	[smem:$0x3FC3] =	sst s2  }
0x8f: {  	_ = 	snop  }
0x90: {  	(tm) =	ssettm $0x1  }
0x91: {  	s17 =	sld [smem:$0x3FFB];
	_ =	sdelay $0x3  }
0x92: {  	_ =	strace s17  }
0x93: {  	s2 =	sld [smem:$0x3FFC];
	_ =	sdelay $0x3  }
0x94: {  	_ =	strace s2  }
0x95: {  	s2 =	sld [smem:$0x3FFD];
	_ =	sdelay $0x3  }
0x96: {  	_ =	strace s2  }
0x97: {  	_ =	strace $0x8FFFFFFF  }
0x98: {  	s18 =	sld [smem:$0x3FDB];
	_ =	sdelay $0x1  }
0x99: {  	s19 =	simm.s32 $_scs_section_size  }
0x9a: {  	s4 =	simm.s32 $_size__tile_overlayer_lowered;
	s5 =	simm.s32 $_tile_overlayer_lowered  }
0x9b: {  	s22 =	simm.s32 $0x1BFF;
	s21 =	sshll.u32 s5, $0x1;
	s2 =	sadd.s32 s19, s18  }
0x9c: {  	s6 =	simm.s32 $0x0;
	s20 =	sshll.u32 s4, $0x1;
	s4 =	sadd.s32 s21, s2  }
0x9d: {  	[timem:s6], [sflag:s22] =	dma.local [hbm:s4], s20  }
0x9e: {  	_ =	swait.ge [sflag:s22], s20  }
0x9f: {  	s3 =	ssub.s32 $0x0, s20;
	[sflag:s22] =	ssyncset.done $0x0  }
0xa0: {  	[sflag:s22] =	ssyncadd.s32 s3;
	_ =	sdelay $0x1  }
0xa1: {  	s23 =	simm.s32 $0x1B8B  }
0xa2: {  	_ =	swait.ge [sflag:s23], $0x1  }
0xa3: {  	[sflag:s23] =	ssyncset.done $0x0  }
0xa4: {  	s25 =	simm.s32 $0x1B8E;
	s24 =	sld [smem:$0x3FFE];
	[sflag:s23] =	ssyncadd.s32 $0xFFFFFFFF  }
0xa5: {  	s26 =	simm.s32 $execute0_lowered;
	[smem:$0x3FD2] =	sst s25  }
0xa6: {  	s4 =	sshll.u32 s26, $0x1;
	_ =	strace $0x80000046;
	[dreg:$0x1] =	wrdreg $0xFFFFFFFF  }
0xa7: {  	s28 =	simm.s32 $_size_execute0_lowered;
	s2 =	sadd.s32 s2, s4;
	[dreg:$0x0] =	wrdreg $0x0  }
0xa8: {  	s4 =	sshll.u32 s28, $0x1;
	[dreg:$0x2] =	wrdreg s2  }
0xa9: {  	[dreg:$0x3] =	wrdreg s4  }
0xaa: {  	[dreg:$0x4] =	wrdreg $0xC0  }
0xab: {  	_ =	task [dreg:s6], $0x5FFFF  }
0xac: {  	[dreg:$0x1] =	wrdreg $0xFFFFFFFF  }
0xad: {  	[dreg:$0x0] =	wrdreg $0x60  }
0xae: {  	[dreg:$0x2] =	wrdreg s24  }
0xaf: {  	[dreg:$0x3] =	wrdreg $0x9  }
0xb0: {  	_ =	task.clear_ibuf [dreg:s6], $0x4FFFF;
	_ =	strace $0x90000046  }
0xb1: {  	s29 =	simm.s32 $0x9;
	_ =	strace $0x80000048  }
0xb2: {  	_ =	swait.ge [sflag:s29], $0x1  }
0xb3: {  	[sflag:s29] =	ssyncadd.s32 $0xFFFFFFFF  }
0xb4: {  	_ =	strace $0x90000048  }
0xb5: {  	_ =	sfence  }
0xb6: {  	s30 =	sld [smem:$0x0];
	_ =	sdelay $0x2  }
0xb7: {  	s31 =	sshll.u32 s1, $0xD;
	s1 =	sshrl.u32 s1, $0x2  }
0xb8: {  	s3 =	sand.u32 $0x4000, s31;
	s1 =	sadd.s32 s1, s30  }
0xb9: {  	s0 =	sor.u32 s3, s0;
	s1 =	sshll.u32 s1, $0x11  }
0xba: {  	s0 =	sor.u32 s1, s0  }
0xbb: {  	s0 =	sadd.s32 $0x8F2B, s0  }
0xbc: {  	[sflag:s0] =	ssyncadd.remote.s32 $0x1  }
0xbd: {  	_ =	sfence.sel $0xFFFF  }
0xbe: {  	[dreg:$0x0] =	wrdreg $0xFFFFFFFF;
	(pc) =	sbr.abs _section_cstart, $3  }
0xbf: {  	[dreg:$0x1] =	wrdreg $0xFFFFFFFF  }
0xc0: {  	_ =	task.clear_ibuf [dreg:s6], $0x2FFFF;
	_ =	strace $0x9FFFFFFF  }
0xc1: {  	(tm) =	ssettm $0x7FFFFFFF  }
tec
execute0_lowered:
.L_overlay_start_1:
0x0: {  	(tag) =	ssettag $0x1  }
0x1: {  	s6 =	rddreg [dreg:$0x0]  }
0x2: {  	s0 =	rddreg [dreg:$0x1];
	s2 =	simm.s32 $0x0;
	s3 =	srdreg.scid  }
0x3: {  	s1 =	stileid.u32;
	s10 =	simm.s32 $0x3;
	s11 =	simm.s32 $0x640  }
0x4: {  	s12 =	simm.s32 $0xC80;
	s13 =	simm.s32 $0xD480;
	s14 =	simm.s32 $0x1  }
0x5: {  	s15 =	simm.s32 $0x19C80;
	s16 =	simm.s32 $0x2;
	s17 =	simm.s32 $0x0  }
0x6: {  	[smem:$0x7FF] =	sst s2;
	s4 =	sand.u32 $0x1, s3;
	s30 =	sshll.u32 s1, $0x1  }
0x7: {  	s3 =	sadd.s32 $0xC00, s6;
	s5 =	sadd.s32 $0xF43000, s6;
	s7 =	sor.u32 s4, s30  }
0x8: {  	s8 =	ssub.s32 $0x2, s4;
	s4 =	smul.u32 $0x19000, s7;
	s7 =	sshll.u32 s7, $0xB  }
0x9: {  	_ =	strace $0x80000047;
	s9 =	sshrl.u32 s8, $0x1;
	s7 =	sadd.s32 s7, s6  }
0xa: {  	s9 =	ssub.s32 s8, s9;
	s31 =	sshrl.u32 s4, $0x3;
	s7 =	sadd.s32 $0x64C00, s7  }
0xb: {  	v0 =	vimm.f32 $0.0e+00;
	s8 =	sor.u32 $0xC80, s4;
	s9 =	smax.u32 s9, $0x1;
	s6 =	sadd.s32 s3, s31  }
.LBB2_1:
0xc: {  	[tilespmem:s2], [sflag:$0x3] =	stream.linear.gather [hbm4b:s6+s2], $0x640, $0x38;
	[tilespmem:$0x19D80] =	vst v63  }
0xd: {  	_ =	swait.ge [sflag:s10], $0x640  }
0xe: {  	[sflag:s10] =	ssyncset.done $0x0  }
0xf: {  	s18 =	simm.s32 $0x0;
	s19 =	simm.s32 $0x200;
	[sflag:s10] =	ssyncadd.s32 $0xFFFFF9C0  }
.LBB2_2:
0x10: {  	p0 =	sne.s32 s19, $0x31E00;
	[tilespmem:s18+$0xCF0] =	vst v0  }
0x11: {  	[tilespmem:s18+$0xC80] =	vst v0  }
0x12: {  	[tilespmem:s18+$0xC90] =	vst v0  }
.Ltmp0:
0x13: {  	[tilespmem:s18+$0xCA0] =	vst v0;
	(pc) =	sbr.rel @p0 .LBB2_2-.Ltmp0, $4  }
0x14: {  	[tilespmem:s18+$0xCB0] =	vst v0  }
0x15: {  	[tilespmem:s18+$0xCC0] =	vst v0  }
0x16: {  	[tilespmem:s18+$0xCD0] =	vst v0  }
0x17: {  	[tilespmem:s18+$0xCE0] =	vst v0;
	s18 =	sshra.s32 s19, $0x2;
	s19 =	sadd.s32 $0x200, s19  }
0x18: {  	[tilespmem:s18+$0xCF0] =	vst v0  }
0x19: {  	[tilespmem:s18+$0xC80] =	vst v0  }
0x1a: {  	[tilespmem:s18+$0xC90] =	vst v0  }
0x1b: {  	[tilespmem:s18+$0xCA0] =	vst v0  }
0x1c: {  	[tilespmem:s18+$0xCB0] =	vst v0  }
0x1d: {  	[tilespmem:s18+$0xCC0] =	vst v0  }
0x1e: {  	[tilespmem:s18+$0xCD0] =	vst v0  }
0x1f: {  	[tilespmem:s18+$0xCE0] =	vst v0;
	(ifvalue) =	ssetifvalue $0x7FFFFFFF  }
0x20: {  	s18 =	simm.s32 $0x0;
	s19 =	simm.s32 $0x0;
	(ifvalue) =	ssetifvalue $0x7FFFFFFF  }
0x21: {  	[tilespmem:s12], [sflag:$0x1] =	stream.indirect.gather [hbm4b:s5+s11], $0x20, s18, s11, $0x40b8;
	[tilespmem:$0x19D80] =	vst v63  }
.LBB2_4:
0x22: {  	s20 =	sshllo.u32 s19, $0x1  }
0x23: {  	s21 =	smul.u32 $0x640, s20;
	_ =	sdelay $0x1  }
0x24: {  	s21 =	sadd.s32 s4, s21  }
0x25: {  	s21 =	sshrl.u32 s21, $0x3  }
0x26: {  	s21 =	sadd.s32 s3, s21  }
0x27: {  	[tilespmem:s11], [sflag:$0x3] =	stream.linear.gather [hbm4b:s21+s18], $0x640, $0x38;
	[tilespmem:$0x19D80] =	vst v63  }
0x28: {  	_ =	swait.ge [sflag:s10], $0x640  }
0x29: {  	[sflag:s10] =	ssyncset.done $0x0  }
0x2a: {  	s22 =	simm.s32 $0x200;
	s21 =	simm.s32 $0x0;
	[sflag:s10] =	ssyncadd.s32 $0xFFFFF9C0  }
.LBB2_5:
0x2b: {  	p0 =	sne.s32 s22, $0x31E00;
	[tilespmem:s21+$0xD4F0] =	vst v0  }
0x2c: {  	[tilespmem:s21+$0xD480] =	vst v0  }
0x2d: {  	[tilespmem:s21+$0xD490] =	vst v0  }
.Ltmp1:
0x2e: {  	[tilespmem:s21+$0xD4A0] =	vst v0;
	(pc) =	sbr.rel @p0 .LBB2_5-.Ltmp1, $4  }
0x2f: {  	[tilespmem:s21+$0xD4B0] =	vst v0  }
0x30: {  	[tilespmem:s21+$0xD4C0] =	vst v0  }
0x31: {  	[tilespmem:s21+$0xD4D0] =	vst v0  }
0x32: {  	[tilespmem:s21+$0xD4E0] =	vst v0;
	s21 =	sshra.s32 s22, $0x2;
	s22 =	sadd.s32 $0x200, s22  }
0x33: {  	[tilespmem:s21+$0xD4F0] =	vst v0  }
0x34: {  	[tilespmem:s21+$0xD480] =	vst v0  }
0x35: {  	[tilespmem:s21+$0xD490] =	vst v0  }
0x36: {  	[tilespmem:s21+$0xD4A0] =	vst v0  }
0x37: {  	[tilespmem:s21+$0xD4B0] =	vst v0  }
0x38: {  	[tilespmem:s21+$0xD4C0] =	vst v0  }
0x39: {  	[tilespmem:s21+$0xD4D0] =	vst v0  }
0x3a: {  	[tilespmem:s21+$0xD4E0] =	vst v0;
	(ifvalue) =	ssetifvalue $0x7FFFFFFF  }
0x3b: {  	(ifvalue) =	ssetifvalue $0x7FFFFFFF  }
0x3c: {  	[tilespmem:s13], [sflag:$0x2] =	stream.indirect.gather [hbm4b:s5+s11], $0x20, s11, s11, $0x40b8;
	[tilespmem:$0x19D80] =	vst v63  }
0x3d: {  	_ =	swait.ge [sflag:s14], $0xC800  }
0x3e: {  	[sflag:s14] =	ssyncset.done $0x0  }
0x3f: {  	s22 =	simm.s32 $0x0;
	[sflag:s14] =	ssyncadd.s32 $0xFFFF3800  }
0x40: {  	v2 =	vld [tilespmem:s22+$0xCB0]  }
0x41: {  	v4 =	vld [tilespmem:s22+$0xC80]  }
0x42: {  	v1 =	vimm.f32 $0.0e+00;
	v3 =	vld [tilespmem:s22+$0xC90]  }
0x43: {  	s21 =	simm.s32 $0x100;
	v6 =	vimm.f32 $0.0e+00;
	v5 =	vimm.f32 $0.0e+00;
	v8 =	vimm.f32 $0.0e+00;
	v7 =	vld [tilespmem:s22+$0xCA0]  }
.LBB2_7:
0x44: {  	p0 =	sne.s32 s21, $0x6300  }
.Ltmp2:
0x45: {  	s22 =	sshra.s32 s21, $0x2;
	s21 =	sadd.s32 $0x100, s21;
	v1 =	vadd.f32 v2, v1;
	(pc) =	sbr.rel @p0 .LBB2_7-.Ltmp2, $4  }
0x46: {  	v2 =	vld [tilespmem:s22+$0xCB0];
	v6 =	vadd.f32 v4, v6  }
0x47: {  	v4 =	vld [tilespmem:s22+$0xC80];
	v5 =	vadd.f32 v3, v5  }
0x48: {  	v3 =	vld [tilespmem:s22+$0xC90];
	v8 =	vadd.f32 v7, v8  }
0x49: {  	v7 =	vld [tilespmem:s22+$0xCA0]  }
0x4a: {  	_ =	sdelay $0x2  }
0x4b: {  	v1 =	vadd.f32 v2, v1;
	v2 =	vadd.f32 v3, v5  }
0x4c: {  	v4 =	vadd.f32 v4, v6;
	v6 =	vadd.f32 v7, v8  }
0x4d: {  	v1 =	vadd.f32 v1, v2  }
0x4e: {  	v3 =	vadd.f32 v6, v4  }
0x4f: {  	[tilespmem:$0x19C90] =	vst v1  }
0x50: {  	s22 =	simm.s32 $0x0;
	[tilespmem:$0x19C80] =	vst v3  }
0x51: {  	v2 =	vld [tilespmem:s22+$0x25B0]  }
0x52: {  	v4 =	vld [tilespmem:s22+$0x2580]  }
0x53: {  	v5 =	vimm.f32 $0.0e+00;
	v3 =	vld [tilespmem:s22+$0x2590]  }
0x54: {  	s21 =	simm.s32 $0x100;
	v8 =	vimm.f32 $0.0e+00;
	v6 =	vimm.f32 $0.0e+00;
	v1 =	vimm.f32 $0.0e+00;
	v7 =	vld [tilespmem:s22+$0x25A0]  }
.LBB2_9:
0x55: {  	p0 =	sne.s32 s21, $0x6300  }
.Ltmp3:
0x56: {  	s22 =	sshra.s32 s21, $0x2;
	s21 =	sadd.s32 $0x100, s21;
	v1 =	vadd.f32 v2, v1;
	(pc) =	sbr.rel @p0 .LBB2_9-.Ltmp3, $4  }
0x57: {  	v2 =	vld [tilespmem:s22+$0x25B0];
	v6 =	vadd.f32 v4, v6  }
0x58: {  	v4 =	vld [tilespmem:s22+$0x2580];
	v5 =	vadd.f32 v3, v5  }
0x59: {  	v3 =	vld [tilespmem:s22+$0x2590];
	v8 =	vadd.f32 v7, v8  }
0x5a: {  	v7 =	vld [tilespmem:s22+$0x25A0]  }
0x5b: {  	_ =	sdelay $0x2  }
0x5c: {  	v1 =	vadd.f32 v2, v1;
	v2 =	vadd.f32 v3, v5  }
0x5d: {  	v4 =	vadd.f32 v4, v6;
	v6 =	vadd.f32 v7, v8  }
0x5e: {  	v1 =	vadd.f32 v1, v2  }
0x5f: {  	v3 =	vadd.f32 v6, v4  }
0x60: {  	[tilespmem:$0x19CB0] =	vst v1  }
0x61: {  	s22 =	simm.s32 $0x0;
	[tilespmem:$0x19CA0] =	vst v3  }
0x62: {  	v2 =	vld [tilespmem:s22+$0x3EB0]  }
0x63: {  	v4 =	vld [tilespmem:s22+$0x3E80]  }
0x64: {  	v5 =	vimm.f32 $0.0e+00;
	v3 =	vld [tilespmem:s22+$0x3E90]  }
0x65: {  	s21 =	simm.s32 $0x100;
	v8 =	vimm.f32 $0.0e+00;
	v6 =	vimm.f32 $0.0e+00;
	v1 =	vimm.f32 $0.0e+00;
	v7 =	vld [tilespmem:s22+$0x3EA0]  }
.LBB2_11:
0x66: {  	p0 =	sne.s32 s21, $0x6300  }
.Ltmp4:
0x67: {  	s22 =	sshra.s32 s21, $0x2;
	s21 =	sadd.s32 $0x100, s21;
	v1 =	vadd.f32 v2, v1;
	(pc) =	sbr.rel @p0 .LBB2_11-.Ltmp4, $4  }
0x68: {  	v2 =	vld [tilespmem:s22+$0x3EB0];
	v6 =	vadd.f32 v4, v6  }
0x69: {  	v4 =	vld [tilespmem:s22+$0x3E80];
	v5 =	vadd.f32 v3, v5  }
0x6a: {  	v3 =	vld [tilespmem:s22+$0x3E90];
	v8 =	vadd.f32 v7, v8  }
0x6b: {  	v7 =	vld [tilespmem:s22+$0x3EA0]  }
0x6c: {  	_ =	sdelay $0x2  }
0x6d: {  	v1 =	vadd.f32 v2, v1;
	v2 =	vadd.f32 v3, v5  }
0x6e: {  	v4 =	vadd.f32 v4, v6;
	v6 =	vadd.f32 v7, v8  }
0x6f: {  	v1 =	vadd.f32 v1, v2  }
0x70: {  	v3 =	vadd.f32 v6, v4  }
0x71: {  	[tilespmem:$0x19CD0] =	vst v1  }
0x72: {  	s22 =	simm.s32 $0x0;
	[tilespmem:$0x19CC0] =	vst v3  }
0x73: {  	v2 =	vld [tilespmem:s22+$0x57B0]  }
0x74: {  	v4 =	vld [tilespmem:s22+$0x5780]  }
0x75: {  	v5 =	vimm.f32 $0.0e+00;
	v3 =	vld [tilespmem:s22+$0x5790]  }
0x76: {  	s21 =	simm.s32 $0x100;
	v8 =	vimm.f32 $0.0e+00;
	v6 =	vimm.f32 $0.0e+00;
	v1 =	vimm.f32 $0.0e+00;
	v7 =	vld [tilespmem:s22+$0x57A0]  }
.LBB2_13:
0x77: {  	p0 =	sne.s32 s21, $0x6300  }
.Ltmp5:
0x78: {  	s22 =	sshra.s32 s21, $0x2;
	s21 =	sadd.s32 $0x100, s21;
	v1 =	vadd.f32 v2, v1;
	(pc) =	sbr.rel @p0 .LBB2_13-.Ltmp5, $4  }
0x79: {  	v2 =	vld [tilespmem:s22+$0x57B0];
	v6 =	vadd.f32 v4, v6  }
0x7a: {  	v4 =	vld [tilespmem:s22+$0x5780];
	v5 =	vadd.f32 v3, v5  }
0x7b: {  	v3 =	vld [tilespmem:s22+$0x5790];
	v8 =	vadd.f32 v7, v8  }
0x7c: {  	v7 =	vld [tilespmem:s22+$0x57A0]  }
0x7d: {  	_ =	sdelay $0x2  }
0x7e: {  	v1 =	vadd.f32 v2, v1;
	v2 =	vadd.f32 v3, v5  }
0x7f: {  	v4 =	vadd.f32 v4, v6;
	v6 =	vadd.f32 v7, v8  }
0x80: {  	v1 =	vadd.f32 v1, v2  }
0x81: {  	v3 =	vadd.f32 v6, v4  }
0x82: {  	[tilespmem:$0x19CF0] =	vst v1  }
0x83: {  	s22 =	simm.s32 $0x0;
	[tilespmem:$0x19CE0] =	vst v3  }
0x84: {  	v2 =	vld [tilespmem:s22+$0x70B0]  }
0x85: {  	v4 =	vld [tilespmem:s22+$0x7080]  }
0x86: {  	v5 =	vimm.f32 $0.0e+00;
	v3 =	vld [tilespmem:s22+$0x7090]  }
0x87: {  	s21 =	simm.s32 $0x100;
	v8 =	vimm.f32 $0.0e+00;
	v6 =	vimm.f32 $0.0e+00;
	v1 =	vimm.f32 $0.0e+00;
	v7 =	vld [tilespmem:s22+$0x70A0]  }
.LBB2_15:
0x88: {  	p0 =	sne.s32 s21, $0x6300  }
.Ltmp6:
0x89: {  	s22 =	sshra.s32 s21, $0x2;
	s21 =	sadd.s32 $0x100, s21;
	v1 =	vadd.f32 v2, v1;
	(pc) =	sbr.rel @p0 .LBB2_15-.Ltmp6, $4  }
0x8a: {  	v2 =	vld [tilespmem:s22+$0x70B0];
	v6 =	vadd.f32 v4, v6  }
0x8b: {  	v4 =	vld [tilespmem:s22+$0x7080];
	v5 =	vadd.f32 v3, v5  }
0x8c: {  	v3 =	vld [tilespmem:s22+$0x7090];
	v8 =	vadd.f32 v7, v8  }
0x8d: {  	v7 =	vld [tilespmem:s22+$0x70A0]  }
0x8e: {  	_ =	sdelay $0x2  }
0x8f: {  	v1 =	vadd.f32 v2, v1;
	v2 =	vadd.f32 v3, v5  }
0x90: {  	v4 =	vadd.f32 v4, v6;
	v6 =	vadd.f32 v7, v8  }
0x91: {  	v1 =	vadd.f32 v1, v2  }
0x92: {  	v3 =	vadd.f32 v6, v4  }
0x93: {  	[tilespmem:$0x19D10] =	vst v1  }
0x94: {  	s22 =	simm.s32 $0x0;
	[tilespmem:$0x19D00] =	vst v3  }
0x95: {  	v2 =	vld [tilespmem:s22+$0x89B0]  }
0x96: {  	v4 =	vld [tilespmem:s22+$0x8980]  }
0x97: {  	v5 =	vimm.f32 $0.0e+00;
	v3 =	vld [tilespmem:s22+$0x8990]  }
0x98: {  	s21 =	simm.s32 $0x100;
	v8 =	vimm.f32 $0.0e+00;
	v6 =	vimm.f32 $0.0e+00;
	v1 =	vimm.f32 $0.0e+00;
	v7 =	vld [tilespmem:s22+$0x89A0]  }
.LBB2_17:
0x99: {  	p0 =	sne.s32 s21, $0x6300  }
.Ltmp7:
0x9a: {  	s22 =	sshra.s32 s21, $0x2;
	s21 =	sadd.s32 $0x100, s21;
	v1 =	vadd.f32 v2, v1;
	(pc) =	sbr.rel @p0 .LBB2_17-.Ltmp7, $4  }
0x9b: {  	v2 =	vld [tilespmem:s22+$0x89B0];
	v6 =	vadd.f32 v4, v6  }
0x9c: {  	v4 =	vld [tilespmem:s22+$0x8980];
	v5 =	vadd.f32 v3, v5  }
0x9d: {  	v3 =	vld [tilespmem:s22+$0x8990];
	v8 =	vadd.f32 v7, v8  }
0x9e: {  	v7 =	vld [tilespmem:s22+$0x89A0]  }
0x9f: {  	_ =	sdelay $0x2  }
0xa0: {  	v1 =	vadd.f32 v2, v1;
	v2 =	vadd.f32 v3, v5  }
0xa1: {  	v4 =	vadd.f32 v4, v6;
	v6 =	vadd.f32 v7, v8  }
0xa2: {  	v1 =	vadd.f32 v1, v2  }
0xa3: {  	v3 =	vadd.f32 v6, v4  }
0xa4: {  	[tilespmem:$0x19D30] =	vst v1  }
0xa5: {  	s22 =	simm.s32 $0x0;
	[tilespmem:$0x19D20] =	vst v3  }
0xa6: {  	v2 =	vld [tilespmem:s22+$0xA2B0]  }
0xa7: {  	v4 =	vld [tilespmem:s22+$0xA280]  }
0xa8: {  	v5 =	vimm.f32 $0.0e+00;
	v3 =	vld [tilespmem:s22+$0xA290]  }
0xa9: {  	s21 =	simm.s32 $0x100;
	v8 =	vimm.f32 $0.0e+00;
	v6 =	vimm.f32 $0.0e+00;
	v1 =	vimm.f32 $0.0e+00;
	v7 =	vld [tilespmem:s22+$0xA2A0]  }
.LBB2_19:
0xaa: {  	p0 =	sne.s32 s21, $0x6300  }
.Ltmp8:
0xab: {  	s22 =	sshra.s32 s21, $0x2;
	s21 =	sadd.s32 $0x100, s21;
	v1 =	vadd.f32 v2, v1;
	(pc) =	sbr.rel @p0 .LBB2_19-.Ltmp8, $4  }
0xac: {  	v2 =	vld [tilespmem:s22+$0xA2B0];
	v6 =	vadd.f32 v4, v6  }
0xad: {  	v4 =	vld [tilespmem:s22+$0xA280];
	v5 =	vadd.f32 v3, v5  }
0xae: {  	v3 =	vld [tilespmem:s22+$0xA290];
	v8 =	vadd.f32 v7, v8  }
0xaf: {  	v7 =	vld [tilespmem:s22+$0xA2A0]  }
0xb0: {  	_ =	sdelay $0x2  }
0xb1: {  	v1 =	vadd.f32 v2, v1;
	v2 =	vadd.f32 v3, v5  }
0xb2: {  	v4 =	vadd.f32 v4, v6;
	v6 =	vadd.f32 v7, v8  }
0xb3: {  	v1 =	vadd.f32 v1, v2  }
0xb4: {  	v3 =	vadd.f32 v6, v4  }
0xb5: {  	[tilespmem:$0x19D50] =	vst v1  }
0xb6: {  	s22 =	simm.s32 $0x0;
	[tilespmem:$0x19D40] =	vst v3  }
0xb7: {  	v2 =	vld [tilespmem:s22+$0xBBB0]  }
0xb8: {  	v4 =	vld [tilespmem:s22+$0xBB80]  }
0xb9: {  	v5 =	vimm.f32 $0.0e+00;
	v3 =	vld [tilespmem:s22+$0xBB90]  }
0xba: {  	s21 =	simm.s32 $0x100;
	v8 =	vimm.f32 $0.0e+00;
	v6 =	vimm.f32 $0.0e+00;
	v1 =	vimm.f32 $0.0e+00;
	v7 =	vld [tilespmem:s22+$0xBBA0]  }
.LBB2_21:
0xbb: {  	p0 =	sne.s32 s21, $0x6300  }
.Ltmp9:
0xbc: {  	s22 =	sshra.s32 s21, $0x2;
	s21 =	sadd.s32 $0x100, s21;
	v1 =	vadd.f32 v2, v1;
	(pc) =	sbr.rel @p0 .LBB2_21-.Ltmp9, $4  }
0xbd: {  	v2 =	vld [tilespmem:s22+$0xBBB0];
	v6 =	vadd.f32 v4, v6  }
0xbe: {  	v4 =	vld [tilespmem:s22+$0xBB80];
	v5 =	vadd.f32 v3, v5  }
0xbf: {  	v3 =	vld [tilespmem:s22+$0xBB90];
	v8 =	vadd.f32 v7, v8  }
0xc0: {  	v7 =	vld [tilespmem:s22+$0xBBA0]  }
0xc1: {  	_ =	sdelay $0x2  }
0xc2: {  	v1 =	vadd.f32 v2, v1;
	v2 =	vadd.f32 v3, v5  }
0xc3: {  	v4 =	vadd.f32 v4, v6;
	v63 =	vadd.f32 v7, v8  }
0xc4: {  	v1 =	vadd.f32 v1, v2  }
0xc5: {  	v3 =	vadd.f32 v63, v4  }
0xc6: {  	s21 =	sshll.u32 s19, $0x6;
	p0 =	seq.s32 s19, $0x1F;
	[tilespmem:$0x19D70] =	vst v1  }
.Ltmp10:
0xc7: {  	s21 =	sadd.s32 s21, s7;
	[tilespmem:$0x19D60] =	vst v3;
	(pc) =	sbr.rel @p0 .LBB2_26-.Ltmp10, $4  }
0xc8: {  	[hbm4b:s21+s2] =	stream.linear.scatter [tilespmem:s15], [sflag:$0x3], $0x100, $0x38;
	[tilespmem:$0x19D80] =	vst v63  }
0xc9: {  	_ =	swait.ge [sflag:s10], $0x100  }
0xca: {  	[sflag:s10] =	ssyncset.done $0x0  }
0xcb: {  	[sflag:s10] =	ssyncadd.s32 $0xFFFFFF00  }
0xcc: {  	s21 =	smul.u32 $0xC80, s19;
	_ =	sdelay $0x1  }
0xcd: {  	s21 =	sadd.s32 s21, s8  }
0xce: {  	s21 =	sshrl.u32 s21, $0x3  }
0xcf: {  	s22 =	simm.s32 $0x0;
	s21 =	sadd.s32 s3, s21  }
0xd0: {  	[tilespmem:s22], [sflag:$0x3] =	stream.linear.gather [hbm4b:s21+s22], $0x640, $0x38;
	[tilespmem:$0x19D80] =	vst v63  }
0xd1: {  	_ =	swait.ge [sflag:s10], $0x640  }
0xd2: {  	[sflag:s10] =	ssyncset.done $0x0  }
0xd3: {  	s21 =	simm.s32 $0x0;
	s22 =	simm.s32 $0x200;
	[sflag:s10] =	ssyncadd.s32 $0xFFFFF9C0  }
.LBB2_24:
0xd4: {  	p0 =	sne.s32 s22, $0x31E00;
	[tilespmem:s21+$0xCF0] =	vst v0  }
0xd5: {  	[tilespmem:s21+$0xC80] =	vst v0  }
0xd6: {  	[tilespmem:s21+$0xC90] =	vst v0  }
.Ltmp11:
0xd7: {  	[tilespmem:s21+$0xCA0] =	vst v0;
	(pc) =	sbr.rel @p0 .LBB2_24-.Ltmp11, $4  }
0xd8: {  	[tilespmem:s21+$0xCB0] =	vst v0  }
0xd9: {  	[tilespmem:s21+$0xCC0] =	vst v0  }
0xda: {  	[tilespmem:s21+$0xCD0] =	vst v0  }
0xdb: {  	[tilespmem:s21+$0xCE0] =	vst v0;
	s21 =	sshra.s32 s22, $0x2;
	s22 =	sadd.s32 $0x200, s22  }
0xdc: {  	[tilespmem:s21+$0xCF0] =	vst v0  }
0xdd: {  	[tilespmem:s21+$0xC80] =	vst v0  }
0xde: {  	[tilespmem:s21+$0xC90] =	vst v0  }
0xdf: {  	[tilespmem:s21+$0xCA0] =	vst v0  }
0xe0: {  	[tilespmem:s21+$0xCB0] =	vst v0  }
0xe1: {  	[tilespmem:s21+$0xCC0] =	vst v0  }
0xe2: {  	[tilespmem:s21+$0xCD0] =	vst v0  }
0xe3: {  	[tilespmem:s21+$0xCE0] =	vst v0;
	(ifvalue) =	ssetifvalue $0x7FFFFFFF  }
0xe4: {  	(ifvalue) =	ssetifvalue $0x7FFFFFFF  }
0xe5: {  	[tilespmem:s12], [sflag:$0x1] =	stream.indirect.gather [hbm4b:s5+s11], $0x20, s2, s11, $0x40b8;
	[tilespmem:$0x19D80] =	vst v63  }
.LBB2_26:
0xe6: {  	_ =	swait.ge [sflag:s16], $0xC800  }
0xe7: {  	[sflag:s16] =	ssyncset.done $0x0  }
0xe8: {  	s22 =	simm.s32 $0x0;
	[sflag:s16] =	ssyncadd.s32 $0xFFFF3800  }
0xe9: {  	v2 =	vld [tilespmem:s22+$0xD4B0]  }
0xea: {  	v4 =	vld [tilespmem:s22+$0xD480]  }
0xeb: {  	v1 =	vimm.f32 $0.0e+00;
	v3 =	vld [tilespmem:s22+$0xD490]  }
0xec: {  	s21 =	simm.s32 $0x100;
	v6 =	vimm.f32 $0.0e+00;
	v5 =	vimm.f32 $0.0e+00;
	v8 =	vimm.f32 $0.0e+00;
	v7 =	vld [tilespmem:s22+$0xD4A0]  }
.LBB2_27:
0xed: {  	p0 =	sne.s32 s21, $0x6300  }
.Ltmp12:
0xee: {  	s22 =	sshra.s32 s21, $0x2;
	s21 =	sadd.s32 $0x100, s21;
	v1 =	vadd.f32 v2, v1;
	(pc) =	sbr.rel @p0 .LBB2_27-.Ltmp12, $4  }
0xef: {  	v2 =	vld [tilespmem:s22+$0xD4B0];
	v6 =	vadd.f32 v4, v6  }
0xf0: {  	v4 =	vld [tilespmem:s22+$0xD480];
	v5 =	vadd.f32 v3, v5  }
0xf1: {  	v3 =	vld [tilespmem:s22+$0xD490];
	v8 =	vadd.f32 v7, v8  }
0xf2: {  	v7 =	vld [tilespmem:s22+$0xD4A0]  }
0xf3: {  	_ =	sdelay $0x2  }
0xf4: {  	v1 =	vadd.f32 v2, v1;
	v2 =	vadd.f32 v3, v5  }
0xf5: {  	v4 =	vadd.f32 v4, v6;
	v6 =	vadd.f32 v7, v8  }
0xf6: {  	v1 =	vadd.f32 v1, v2  }
0xf7: {  	v3 =	vadd.f32 v6, v4  }
0xf8: {  	[tilespmem:$0x19C90] =	vst v1  }
0xf9: {  	s22 =	simm.s32 $0x0;
	[tilespmem:$0x19C80] =	vst v3  }
0xfa: {  	v2 =	vld [tilespmem:s22+$0xEDB0]  }
0xfb: {  	v4 =	vld [tilespmem:s22+$0xED80]  }
0xfc: {  	v5 =	vimm.f32 $0.0e+00;
	v3 =	vld [tilespmem:s22+$0xED90]  }
0xfd: {  	s21 =	simm.s32 $0x100;
	v8 =	vimm.f32 $0.0e+00;
	v6 =	vimm.f32 $0.0e+00;
	v1 =	vimm.f32 $0.0e+00;
	v7 =	vld [tilespmem:s22+$0xEDA0]  }
.LBB2_29:
0xfe: {  	p0 =	sne.s32 s21, $0x6300  }
.Ltmp13:
0xff: {  	s22 =	sshra.s32 s21, $0x2;
	s21 =	sadd.s32 $0x100, s21;
	v1 =	vadd.f32 v2, v1;
	(pc) =	sbr.rel @p0 .LBB2_29-.Ltmp13, $4  }
0x100: {  	v2 =	vld [tilespmem:s22+$0xEDB0];
	v6 =	vadd.f32 v4, v6  }
0x101: {  	v4 =	vld [tilespmem:s22+$0xED80];
	v5 =	vadd.f32 v3, v5  }
0x102: {  	v3 =	vld [tilespmem:s22+$0xED90];
	v8 =	vadd.f32 v7, v8  }
0x103: {  	v7 =	vld [tilespmem:s22+$0xEDA0]  }
0x104: {  	_ =	sdelay $0x2  }
0x105: {  	v1 =	vadd.f32 v2, v1;
	v2 =	vadd.f32 v3, v5  }
0x106: {  	v4 =	vadd.f32 v4, v6;
	v6 =	vadd.f32 v7, v8  }
0x107: {  	v1 =	vadd.f32 v1, v2  }
0x108: {  	v3 =	vadd.f32 v6, v4  }
0x109: {  	[tilespmem:$0x19CB0] =	vst v1  }
0x10a: {  	s22 =	simm.s32 $0x0;
	[tilespmem:$0x19CA0] =	vst v3  }
0x10b: {  	v2 =	vld [tilespmem:s22+$0x106B0]  }
0x10c: {  	v4 =	vld [tilespmem:s22+$0x10680]  }
0x10d: {  	v5 =	vimm.f32 $0.0e+00;
	v3 =	vld [tilespmem:s22+$0x10690]  }
0x10e: {  	s21 =	simm.s32 $0x100;
	v8 =	vimm.f32 $0.0e+00;
	v6 =	vimm.f32 $0.0e+00;
	v1 =	vimm.f32 $0.0e+00;
	v7 =	vld [tilespmem:s22+$0x106A0]  }
.LBB2_31:
0x10f: {  	p0 =	sne.s32 s21, $0x6300  }
.Ltmp14:
0x110: {  	s22 =	sshra.s32 s21, $0x2;
	s21 =	sadd.s32 $0x100, s21;
	v1 =	vadd.f32 v2, v1;
	(pc) =	sbr.rel @p0 .LBB2_31-.Ltmp14, $4  }
0x111: {  	v2 =	vld [tilespmem:s22+$0x106B0];
	v6 =	vadd.f32 v4, v6  }
0x112: {  	v4 =	vld [tilespmem:s22+$0x10680];
	v5 =	vadd.f32 v3, v5  }
0x113: {  	v3 =	vld [tilespmem:s22+$0x10690];
	v8 =	vadd.f32 v7, v8  }
0x114: {  	v7 =	vld [tilespmem:s22+$0x106A0]  }
0x115: {  	_ =	sdelay $0x2  }
0x116: {  	v1 =	vadd.f32 v2, v1;
	v2 =	vadd.f32 v3, v5  }
0x117: {  	v4 =	vadd.f32 v4, v6;
	v6 =	vadd.f32 v7, v8  }
0x118: {  	v1 =	vadd.f32 v1, v2  }
0x119: {  	v3 =	vadd.f32 v6, v4  }
0x11a: {  	[tilespmem:$0x19CD0] =	vst v1  }
0x11b: {  	s22 =	simm.s32 $0x0;
	[tilespmem:$0x19CC0] =	vst v3  }
0x11c: {  	v2 =	vld [tilespmem:s22+$0x11FB0]  }
0x11d: {  	v4 =	vld [tilespmem:s22+$0x11F80]  }
0x11e: {  	v5 =	vimm.f32 $0.0e+00;
	v3 =	vld [tilespmem:s22+$0x11F90]  }
0x11f: {  	s21 =	simm.s32 $0x100;
	v8 =	vimm.f32 $0.0e+00;
	v6 =	vimm.f32 $0.0e+00;
	v1 =	vimm.f32 $0.0e+00;
	v7 =	vld [tilespmem:s22+$0x11FA0]  }
.LBB2_33:
0x120: {  	p0 =	sne.s32 s21, $0x6300  }
.Ltmp15:
0x121: {  	s22 =	sshra.s32 s21, $0x2;
	s21 =	sadd.s32 $0x100, s21;
	v1 =	vadd.f32 v2, v1;
	(pc) =	sbr.rel @p0 .LBB2_33-.Ltmp15, $4  }
0x122: {  	v2 =	vld [tilespmem:s22+$0x11FB0];
	v6 =	vadd.f32 v4, v6  }
0x123: {  	v4 =	vld [tilespmem:s22+$0x11F80];
	v5 =	vadd.f32 v3, v5  }
0x124: {  	v3 =	vld [tilespmem:s22+$0x11F90];
	v8 =	vadd.f32 v7, v8  }
0x125: {  	v7 =	vld [tilespmem:s22+$0x11FA0]  }
0x126: {  	_ =	sdelay $0x2  }
0x127: {  	v1 =	vadd.f32 v2, v1;
	v2 =	vadd.f32 v3, v5  }
0x128: {  	v4 =	vadd.f32 v4, v6;
	v6 =	vadd.f32 v7, v8  }
0x129: {  	v1 =	vadd.f32 v1, v2  }
0x12a: {  	v3 =	vadd.f32 v6, v4  }
0x12b: {  	[tilespmem:$0x19CF0] =	vst v1  }
0x12c: {  	s22 =	simm.s32 $0x0;
	[tilespmem:$0x19CE0] =	vst v3  }
0x12d: {  	v2 =	vld [tilespmem:s22+$0x138B0]  }
0x12e: {  	v4 =	vld [tilespmem:s22+$0x13880]  }
0x12f: {  	v5 =	vimm.f32 $0.0e+00;
	v3 =	vld [tilespmem:s22+$0x13890]  }
0x130: {  	s21 =	simm.s32 $0x100;
	v8 =	vimm.f32 $0.0e+00;
	v6 =	vimm.f32 $0.0e+00;
	v1 =	vimm.f32 $0.0e+00;
	v7 =	vld [tilespmem:s22+$0x138A0]  }
.LBB2_35:
0x131: {  	p0 =	sne.s32 s21, $0x6300  }
.Ltmp16:
0x132: {  	s22 =	sshra.s32 s21, $0x2;
	s21 =	sadd.s32 $0x100, s21;
	v1 =	vadd.f32 v2, v1;
	(pc) =	sbr.rel @p0 .LBB2_35-.Ltmp16, $4  }
0x133: {  	v2 =	vld [tilespmem:s22+$0x138B0];
	v6 =	vadd.f32 v4, v6  }
0x134: {  	v4 =	vld [tilespmem:s22+$0x13880];
	v5 =	vadd.f32 v3, v5  }
0x135: {  	v3 =	vld [tilespmem:s22+$0x13890];
	v8 =	vadd.f32 v7, v8  }
0x136: {  	v7 =	vld [tilespmem:s22+$0x138A0]  }
0x137: {  	_ =	sdelay $0x2  }
0x138: {  	v1 =	vadd.f32 v2, v1;
	v2 =	vadd.f32 v3, v5  }
0x139: {  	v4 =	vadd.f32 v4, v6;
	v6 =	vadd.f32 v7, v8  }
0x13a: {  	v1 =	vadd.f32 v1, v2  }
0x13b: {  	v3 =	vadd.f32 v6, v4  }
0x13c: {  	[tilespmem:$0x19D10] =	vst v1  }
0x13d: {  	s22 =	simm.s32 $0x0;
	[tilespmem:$0x19D00] =	vst v3  }
0x13e: {  	v2 =	vld [tilespmem:s22+$0x151B0]  }
0x13f: {  	v4 =	vld [tilespmem:s22+$0x15180]  }
0x140: {  	v5 =	vimm.f32 $0.0e+00;
	v3 =	vld [tilespmem:s22+$0x15190]  }
0x141: {  	s21 =	simm.s32 $0x100;
	v8 =	vimm.f32 $0.0e+00;
	v6 =	vimm.f32 $0.0e+00;
	v1 =	vimm.f32 $0.0e+00;
	v7 =	vld [tilespmem:s22+$0x151A0]  }
.LBB2_37:
0x142: {  	p0 =	sne.s32 s21, $0x6300  }
.Ltmp17:
0x143: {  	s22 =	sshra.s32 s21, $0x2;
	s21 =	sadd.s32 $0x100, s21;
	v1 =	vadd.f32 v2, v1;
	(pc) =	sbr.rel @p0 .LBB2_37-.Ltmp17, $4  }
0x144: {  	v2 =	vld [tilespmem:s22+$0x151B0];
	v6 =	vadd.f32 v4, v6  }
0x145: {  	v4 =	vld [tilespmem:s22+$0x15180];
	v5 =	vadd.f32 v3, v5  }
0x146: {  	v3 =	vld [tilespmem:s22+$0x15190];
	v8 =	vadd.f32 v7, v8  }
0x147: {  	v7 =	vld [tilespmem:s22+$0x151A0]  }
0x148: {  	_ =	sdelay $0x2  }
0x149: {  	v1 =	vadd.f32 v2, v1;
	v2 =	vadd.f32 v3, v5  }
0x14a: {  	v4 =	vadd.f32 v4, v6;
	v6 =	vadd.f32 v7, v8  }
0x14b: {  	v1 =	vadd.f32 v1, v2  }
0x14c: {  	v3 =	vadd.f32 v6, v4  }
0x14d: {  	[tilespmem:$0x19D30] =	vst v1  }
0x14e: {  	s22 =	simm.s32 $0x0;
	[tilespmem:$0x19D20] =	vst v3  }
0x14f: {  	v2 =	vld [tilespmem:s22+$0x16AB0]  }
0x150: {  	v4 =	vld [tilespmem:s22+$0x16A80]  }
0x151: {  	v5 =	vimm.f32 $0.0e+00;
	v3 =	vld [tilespmem:s22+$0x16A90]  }
0x152: {  	s21 =	simm.s32 $0x100;
	v8 =	vimm.f32 $0.0e+00;
	v6 =	vimm.f32 $0.0e+00;
	v1 =	vimm.f32 $0.0e+00;
	v7 =	vld [tilespmem:s22+$0x16AA0]  }
.LBB2_39:
0x153: {  	p0 =	sne.s32 s21, $0x6300  }
.Ltmp18:
0x154: {  	s22 =	sshra.s32 s21, $0x2;
	s21 =	sadd.s32 $0x100, s21;
	v1 =	vadd.f32 v2, v1;
	(pc) =	sbr.rel @p0 .LBB2_39-.Ltmp18, $4  }
0x155: {  	v2 =	vld [tilespmem:s22+$0x16AB0];
	v6 =	vadd.f32 v4, v6  }
0x156: {  	v4 =	vld [tilespmem:s22+$0x16A80];
	v5 =	vadd.f32 v3, v5  }
0x157: {  	v3 =	vld [tilespmem:s22+$0x16A90];
	v8 =	vadd.f32 v7, v8  }
0x158: {  	v7 =	vld [tilespmem:s22+$0x16AA0]  }
0x159: {  	_ =	sdelay $0x2  }
0x15a: {  	v1 =	vadd.f32 v2, v1;
	v2 =	vadd.f32 v3, v5  }
0x15b: {  	v4 =	vadd.f32 v4, v6;
	v6 =	vadd.f32 v7, v8  }
0x15c: {  	v1 =	vadd.f32 v1, v2  }
0x15d: {  	v3 =	vadd.f32 v6, v4  }
0x15e: {  	[tilespmem:$0x19D50] =	vst v1  }
0x15f: {  	s22 =	simm.s32 $0x0;
	[tilespmem:$0x19D40] =	vst v3  }
0x160: {  	v2 =	vld [tilespmem:s22+$0x183B0]  }
0x161: {  	v4 =	vld [tilespmem:s22+$0x18380]  }
0x162: {  	v5 =	vimm.f32 $0.0e+00;
	v3 =	vld [tilespmem:s22+$0x18390]  }
0x163: {  	s21 =	simm.s32 $0x100;
	v8 =	vimm.f32 $0.0e+00;
	v6 =	vimm.f32 $0.0e+00;
	v1 =	vimm.f32 $0.0e+00;
	v7 =	vld [tilespmem:s22+$0x183A0]  }
.LBB2_41:
0x164: {  	p0 =	sne.s32 s21, $0x6300  }
.Ltmp19:
0x165: {  	s22 =	sshra.s32 s21, $0x2;
	s21 =	sadd.s32 $0x100, s21;
	v1 =	vadd.f32 v2, v1;
	(pc) =	sbr.rel @p0 .LBB2_41-.Ltmp19, $4  }
0x166: {  	v2 =	vld [tilespmem:s22+$0x183B0];
	v6 =	vadd.f32 v4, v6  }
0x167: {  	v4 =	vld [tilespmem:s22+$0x18380];
	v5 =	vadd.f32 v3, v5  }
0x168: {  	v3 =	vld [tilespmem:s22+$0x18390];
	v8 =	vadd.f32 v7, v8  }
0x169: {  	v7 =	vld [tilespmem:s22+$0x183A0]  }
0x16a: {  	_ =	sdelay $0x2  }
0x16b: {  	v1 =	vadd.f32 v2, v1;
	v2 =	vadd.f32 v3, v5  }
0x16c: {  	v4 =	vadd.f32 v4, v6;
	v63 =	vadd.f32 v7, v8  }
0x16d: {  	v1 =	vadd.f32 v1, v2  }
0x16e: {  	s19 =	sadd.s32 $0x1, s19;
	v3 =	vadd.f32 v63, v4  }
0x16f: {  	s20 =	sshll.u32 s20, $0x5;
	p0 =	sne.s32 s19, $0x20;
	[tilespmem:$0x19D70] =	vst v1  }
.Ltmp20:
0x170: {  	s20 =	sadd.s32 s20, s7;
	[tilespmem:$0x19D60] =	vst v3;
	(pc) =	sbr.rel @p0 .LBB2_4-.Ltmp20, $4  }
0x171: {  	[hbm4b:s20+s2] =	stream.linear.scatter [tilespmem:s15], [sflag:$0x3], $0x100, $0x38;
	[tilespmem:$0x19D80] =	vst v63  }
0x172: {  	_ =	swait.ge [sflag:s10], $0x100  }
0x173: {  	[sflag:s10] =	ssyncset.done $0x0  }
0x174: {  	[sflag:s10] =	ssyncadd.s32 $0xFFFFFF00  }
0x175: {  	s17 =	sadd.s32 $0x1, s17  }
0x176: {  	p0 =	sne.s32 s17, s9  }
.Ltmp21:
0x177: {  	_ = 	snop;
	(pc) =	sbr.rel @p0 .LBB2_1-.Ltmp21, $1  }
0x178: {  	_ =	sdelay $0x3  }
0x179: {  	_ =	sfence.sel $0x180000  }
0x17a: {  	[bflag:$0x0] =	sbarrier.arrive $0xFFFF  }
0x17b: {  	p0 =	sne.s32 s1, $0x0;
	_ =	strace $0x90000047  }
0x17c: {  	s0 =	sadd.s32 @!p0 $0x100000, s0;
	[bflag:$0x2] =	sbarrier.arrive $0xFFFF  }
0x17d: {  	[sflag:s0] =	ssyncadd.tile.s32 @!p0 $0x1;
	_ =	shalt  }
.Lfunc_end2:
_tile_overlayer_lowered:
.L_overlay_start_2:
0x17e: {  	(tag) =	ssettag $0x2  }
0x17f: {  	s0 =	rddreg [dreg:$0x0];
	s2 =	stileid.u32  }
0x180: {  	s1 =	rddreg [dreg:$0x1];
	p0 =	sne.s32 s2, $0x0  }
0x181: {  	s3 =	rddreg [dreg:$0x2];
	[bflag:$0x3] =	sbarrier.arrive $0xFFFF;
	s2 =	simm.s32 @!p0 $0x1C03  }
0x182: {  	[timem:s3], [sflag:s2] =	dma.local @!p0 [hbm:s0], s1  }
0x183: {  	s0 =	simm.s32 @!p0 $0x3  }
0x184: {  	_ =	swait.ge @!p0 [sflag:s0], s1  }
0x185: {  	s1 =	ssub.s32 @!p0 $0x0, s1;
	[sflag:s0] =	ssyncset.done @!p0 $0x0  }
0x186: {  	[sflag:s0] =	ssyncadd.s32 @!p0 s1  }
0x187: {  	[bflag:$0x3] =	sbarrier.arrive $0xFFFF  }
0x188: {  	_ =	shalt  }

</sc_bundles>
